<compile_context>
chip_gen: v7x
topology: tpu7x:2x2x1
jax: 0.10.2.dev20260603
libtpu: 0.0.44.dev20260713+nightly
codegen_flags: <defaults>
</compile_context>

<pallas_src>
import functools

import jax
import jax.numpy as jnp
from jax import lax
from jax.experimental import pallas as pl
from jax.experimental.pallas import tpu as pltpu
from jax.experimental.pallas import tpu_sc as plsc

N = 320000
D = 128
G = 10000
WS = 8
WG = 4

NWORK = 32
CHUNK = N // NWORK
NCH = 80
CH = CHUNK // NCH
GP = 10240
STRIPE = GP // 16
NV = CHUNK * WG // 16

MLP_BN = 10000
O3 = NV * 12



def _mlp_body(x_ref, w1_ref, b1_ref, w2_ref, b2_ref, o8_ref):
    h = jnp.dot(x_ref[...], w1_ref[...], preferred_element_type=jnp.float32)
    h = h + b1_ref[...]
    h = 0.5 * h * (1.0 + lax.erf(h * 0.7071067811865476))
    o8_ref[...] = jnp.dot(h, w2_ref[...], preferred_element_type=jnp.float32) + b2_ref[...]


def _mlp(x, w1, b1, w2p, b2p):
    grid = N // MLP_BN
    return pl.pallas_call(
        _mlp_body,
        grid=(grid,),
        in_specs=[
            pl.BlockSpec((MLP_BN, D), lambda i: (i, 0)),
            pl.BlockSpec((D, D), lambda i: (0, 0)),
            pl.BlockSpec((1, D), lambda i: (0, 0)),
            pl.BlockSpec((D, WS), lambda i: (0, 0)),
            pl.BlockSpec((1, WS), lambda i: (0, 0)),
        ],
        out_specs=pl.BlockSpec((MLP_BN, WS), lambda i: (i, 0)),
        out_shape=jax.ShapeDtypeStruct((N, WS), jnp.float32),
    )(x, w1, b1, w2p, b2p)


def _mean_body(p_ref, o_ref):
    s = p_ref[0, :, :WG] + p_ref[1, :, :WG]
    o_ref[...] = -s / jnp.maximum(s[:, 3:4], 1.0)


def _mean(part):
    return pl.pallas_call(
        _mean_body,
        grid=(1,),
        in_specs=[pl.BlockSpec((2, GP, WS), lambda i: (0, 0, 0))],
        out_specs=pl.BlockSpec((GP, WG), lambda i: (0, 0)),
        out_shape=jax.ShapeDtypeStruct((GP, WG), jnp.float32),
    )(part)



@functools.cache
def _make_scatter_k():
    mesh = plsc.VectorSubcoreMesh(core_axis_name="c", subcore_axis_name="s")
    return functools.partial(
        pl.kernel,
        mesh=mesh,
        out_type=jax.ShapeDtypeStruct((2, GP, WS), jnp.float32),
        scratch_types=[
            pltpu.VMEM((NCH, CH), jnp.int32),
            pltpu.VMEM((CHUNK, WS), jnp.float32),
            pltpu.VMEM_SHARED((GP, WS), jnp.float32),
        ],
        compiler_params=pltpu.CompilerParams(use_tc_tiling_on_sc=False),
    )(_scatter_body)


def _scatter_body(batch3d, trans8, zer, part, idx_v, vals_v, table_sh):
    cid = lax.axis_index("c")
    sid = lax.axis_index("s")
    wid = sid * 2 + cid
    stripe = pl.ds(sid * STRIPE, STRIPE)
    pltpu.sync_copy(zer.at[stripe], table_sh.at[stripe])
    pltpu.sync_copy(batch3d.at[wid], idx_v)
    pltpu.sync_copy(trans8.at[pl.ds(wid * CHUNK, CHUNK)], vals_v)
    plsc.subcore_barrier()

    def body(j, carry):
        pltpu.sync_copy(vals_v.at[pl.ds(j * CH, CH)],
                        table_sh.at[idx_v.at[j]], add=True)
        return carry

    lax.fori_loop(0, NCH, body, 0)
    plsc.subcore_barrier()
    pltpu.sync_copy(table_sh.at[stripe], part.at[cid, stripe])


@functools.cache
def _make_gather_k():
    mesh = plsc.VectorSubcoreMesh(core_axis_name="c", subcore_axis_name="s")
    return functools.partial(
        pl.kernel,
        mesh=mesh,
        out_type=jax.ShapeDtypeStruct((NWORK, O3), jnp.float32),
        scratch_types=[
            pltpu.VMEM((CHUNK,), jnp.int32),
            pltpu.VMEM((GP * WG,), jnp.float32),
            pltpu.VMEM((NV, 16), jnp.float32),
            pltpu.VMEM((O3 + 16,), jnp.float32),
        ],
        compiler_params=pltpu.CompilerParams(use_tc_tiling_on_sc=False,
                                             needs_layout_passes=False),
    )(_gather_body)


def _gather_body(negmean_flat, batch, tr16, out3, b_v, m_v, tr_v, o_v):
    cid = lax.axis_index("c")
    sid = lax.axis_index("s")
    wid = sid * 2 + cid
    pltpu.sync_copy(batch.at[pl.ds(wid * CHUNK, CHUNK)], b_v)
    pltpu.sync_copy(negmean_flat, m_v)
    lane = lax.iota(jnp.int32, 16)
    sub8 = lane >> 3
    col4 = lane & 3
    keep = (lane & 7) < 3

    for h in range(2):
        pltpu.sync_copy(tr16.at[wid, pl.ds(h * NV, NV)], tr_v)

        def body(k, carry, h=h):
            b16 = plsc.load_gather(b_v, [(h * NV + k) * 2 + sub8])
            m16 = plsc.load_gather(m_v, [(b16 << 2) | col4])
            plsc.store_compressed(o_v.at[pl.ds((h * NV + k) * 6, 16)],
                                  tr_v[k, :] + m16, mask=keep)
            return carry

        lax.fori_loop(0, NV, body, 0, unroll=8)
    pltpu.sync_copy(o_v.at[pl.ds(0, O3)], out3.at[wid])



def kernel(bb_feats, batch, W1, b1, W2, b2):
    f32 = jnp.float32
    w2p = jnp.zeros((D, WS), f32).at[:, :3].set(W2)
    b2p = jnp.zeros((WS,), f32).at[:3].set(b2).at[3].set(1.0)
    trans8 = _mlp(bb_feats, W1, b1.reshape(1, D), w2p, b2p.reshape(1, WS))
    batch3d = batch.reshape(NWORK, NCH, CH)
    zer = jnp.zeros((GP, WS), f32)
    part = _make_scatter_k()(batch3d, trans8, zer)
    negmean = _mean(part)
    tr16 = trans8.reshape(NWORK, CHUNK * WS // 16, 16)
    out3 = _make_gather_k()(negmean.reshape(GP * WG), batch, tr16)
    return out3.reshape(N, 3)

# --- scband reference (transcript-rebuilt; emitter-appended) ---
"""Pipeline reference for scband-atomfeats-to-trans-7361573945693 (READ-ONLY COPY).

The authoritative reference and input builder live on the scoring server;
editing this copy changes nothing except your own understanding.
"""

import jax, jax.numpy as jnp
import numpy as np

N = 320000
D = 128
G = 10000

def setup_inputs(seed: int = 0) -> dict:
    key = jax.random.key(seed)
    k1, k2, k3, k4, k5, k6 = jax.random.split(key, 6)
    bb_feats = jax.random.normal(k1, (N, D), dtype=jnp.float32)
    batch = jnp.sort(jax.random.randint(k2, (N,), 0, G, dtype=jnp.int32))
    s1 = 1.0 / np.sqrt(D)
    W1 = jax.random.normal(k3, (D, D), dtype=jnp.float32) * s1
    b1 = jax.random.normal(k4, (D,), dtype=jnp.float32) * 0.01
    W2 = jax.random.normal(k5, (D, 3), dtype=jnp.float32) * s1
    b2 = jax.random.normal(k6, (3,), dtype=jnp.float32) * 0.01
    return {"bb_feats": bb_feats, "batch": batch, "W1": W1, "b1": b1, "W2": W2, "b2": b2}

def reference(bb_feats, batch, W1, b1, W2, b2):
    # trans_output: Linear -> GELU (exact, matching torch nn.GELU default) -> Linear
    h = bb_feats @ W1 + b1
    h = jax.nn.gelu(h, approximate=False)
    trans = h @ W2 + b2  # [N, 3]
    # scatter mean over segments (graphs)
    sums = jax.ops.segment_sum(trans, batch, num_segments=G)
    counts = jax.ops.segment_sum(jnp.ones((trans.shape[0],), dtype=trans.dtype), batch, num_segments=G)
    mean = sums / jnp.maximum(counts, 1.0)[:, None]  # [G, 3]
    # repeat_interleave(num_bbs) over sorted batch ids == gather mean[batch]
    trans_mean = jnp.take(mean, batch, axis=0)  # [N, 3]
    return trans - trans_mean

if __name__ == "__main__":
    import jax
    _d = setup_inputs()
    print(jax.jit(kernel)(*tuple(_d.values())))

</pallas_src>

<mosaic_0001>
#map = affine_map<(d0, d1) -> (0)>
#map1 = affine_map<(d0, d1) -> (0, 0, 0)>
#map2 = affine_map<(d0, d1) -> (0, 0)>
module attributes {stable_mosaic.version = 14 : i64} {
  func.func @_gather_body(%arg0: i32, %arg1: i32, %arg2: memref<40960xf32, #tpu.memory_space<hbm>>, %arg3: memref<320000xi32, #tpu.memory_space<hbm>>, %arg4: memref<32x5000x16xf32, #tpu.memory_space<hbm>>, %arg5: memref<32x30000xf32, #tpu.memory_space<hbm>>, %arg6: memref<10000xi32, #tpu.memory_space<vmem>>, %arg7: memref<40960xf32, #tpu.memory_space<vmem>>, %arg8: memref<2500x16xf32, #tpu.memory_space<vmem>>, %arg9: memref<30016xf32, #tpu.memory_space<vmem>>) attributes {dimension_semantics = [#tpu.dimension_semantics<core_parallel>, #tpu.dimension_semantics<subcore_parallel>], iteration_bounds = array<i64: 2, 16>, scalar_prefetch = 0 : i64, scratch_operands = 4 : i64, tpu.core_type = #tpu.core_type<sc_vector_subcore>, window_params = [{transform_indices = #map}, {transform_indices = #map}, {transform_indices = #map1}, {transform_indices = #map2}]} {
    %mul3A = arith.constant 2 : i32
    %mul3A_0 = arith.muli %arg1, %mul3A : i32
    %add3A = arith.addi %mul3A_0, %arg0 : i32
    %mul3A_1 = arith.constant 10000 : i32
    %mul3A_2 = arith.muli %add3A, %mul3A_1 : i32
    "tpu.region"() ({
      %run_scoped3A = tpu.sem_alloc : memref<!tpu.dma_semaphore, #tpu.memory_space<semaphore_mem>>
      %dma_start3A = tpu.memref_slice %arg3[%mul3A_2] : memref<320000xi32, #tpu.memory_space<hbm>> -> memref<10000xi32, #tpu.memory_space<hbm>>
      %dma_start3A_210 = tpu.memref_slice %arg3[%mul3A_2] : memref<320000xi32, #tpu.memory_space<hbm>> -> memref<10000xi32, #tpu.memory_space<hbm>>
      tpu.enqueue_dma source(%dma_start3A_210 : memref<10000xi32, #tpu.memory_space<hbm>>) target(%arg6 : memref<10000xi32, #tpu.memory_space<vmem>>) target_semaphore(%run_scoped3A : memref<!tpu.dma_semaphore, #tpu.memory_space<semaphore_mem>>)
      %dma_wait3A = tpu.memref_slice %arg3[%mul3A_2] : memref<320000xi32, #tpu.memory_space<hbm>> -> memref<10000xi32, #tpu.memory_space<hbm>>
      %dma_wait3A_211 = tpu.memref_slice %arg3[%mul3A_2] : memref<320000xi32, #tpu.memory_space<hbm>> -> memref<10000xi32, #tpu.memory_space<hbm>>
      tpu.wait_dma2 semaphore(%run_scoped3A : memref<!tpu.dma_semaphore, #tpu.memory_space<semaphore_mem>>) src(%dma_wait3A_211 : memref<10000xi32, #tpu.memory_space<hbm>>) dst(%arg6 : memref<10000xi32, #tpu.memory_space<vmem>>)
      tpu.yield
    }) : () -> ()
    "tpu.region"() ({
      %run_scoped3A = tpu.sem_alloc : memref<!tpu.dma_semaphore, #tpu.memory_space<semaphore_mem>>
      tpu.enqueue_dma source(%arg2 : memref<40960xf32, #tpu.memory_space<hbm>>) target(%arg7 : memref<40960xf32, #tpu.memory_space<vmem>>) target_semaphore(%run_scoped3A : memref<!tpu.dma_semaphore, #tpu.memory_space<semaphore_mem>>)
      tpu.wait_dma2 semaphore(%run_scoped3A : memref<!tpu.dma_semaphore, #tpu.memory_space<semaphore_mem>>) src(%arg2 : memref<40960xf32, #tpu.memory_space<hbm>>) dst(%arg7 : memref<40960xf32, #tpu.memory_space<vmem>>)
      tpu.yield
    }) : () -> ()
    %iota3A = tpu.iota {dimensions = array<i32: 0>} : vector<16xi32>
    %shift_right_arithmetic3A = arith.constant 3 : i32
    %shift_right_arithmetic3A_3 = vector.broadcast %shift_right_arithmetic3A : i32 to vector<16xi32>
    %shift_right_arithmetic3A_4 = arith.shrsi %iota3A, %shift_right_arithmetic3A_3 : vector<16xi32>
    %and3A = arith.constant 3 : i32
    %and3A_5 = vector.broadcast %and3A : i32 to vector<16xi32>
    %and3A_6 = arith.andi %iota3A, %and3A_5 : vector<16xi32>
    %and3A_7 = arith.constant 7 : i32
    %and3A_8 = vector.broadcast %and3A_7 : i32 to vector<16xi32>
    %and3A_9 = arith.andi %iota3A, %and3A_8 : vector<16xi32>
    %lt3A = arith.constant 3 : i32
    %lt3A_10 = vector.broadcast %lt3A : i32 to vector<16xi32>
    %lt3A_11 = arith.cmpi slt, %and3A_9, %lt3A_10 : vector<16xi32>
    "tpu.region"() ({
      %run_scoped3A = tpu.sem_alloc : memref<!tpu.dma_semaphore, #tpu.memory_space<semaphore_mem>>
      %dma_start3A = arith.constant 0 : i32
      %dma_start3A_210 = arith.constant 0 : i32
      %dma_start3A_211 = tpu.memref_slice %arg4[%add3A, %dma_start3A, %dma_start3A_210] : memref<32x5000x16xf32, #tpu.memory_space<hbm>> -> memref<1x2500x16xf32, #tpu.memory_space<hbm>>
      %dma_start3A_212 = tpu.memref_squeeze %dma_start3A_211 : memref<1x2500x16xf32, #tpu.memory_space<hbm>> -> memref<2500x16xf32, #tpu.memory_space<hbm>>
      %dma_start3A_213 = arith.constant 0 : i32
      %dma_start3A_214 = arith.constant 0 : i32
      %dma_start3A_215 = tpu.memref_slice %arg4[%add3A, %dma_start3A_213, %dma_start3A_214] : memref<32x5000x16xf32, #tpu.memory_space<hbm>> -> memref<1x2500x16xf32, #tpu.memory_space<hbm>>
      %dma_start3A_216 = tpu.memref_squeeze %dma_start3A_215 : memref<1x2500x16xf32, #tpu.memory_space<hbm>> -> memref<2500x16xf32, #tpu.memory_space<hbm>>
      tpu.enqueue_dma source(%dma_start3A_216 : memref<2500x16xf32, #tpu.memory_space<hbm>>) target(%arg8 : memref<2500x16xf32, #tpu.memory_space<vmem>>) target_semaphore(%run_scoped3A : memref<!tpu.dma_semaphore, #tpu.memory_space<semaphore_mem>>)
      %dma_wait3A = arith.constant 0 : i32
      %dma_wait3A_217 = arith.constant 0 : i32
      %dma_wait3A_218 = tpu.memref_slice %arg4[%add3A, %dma_wait3A, %dma_wait3A_217] : memref<32x5000x16xf32, #tpu.memory_space<hbm>> -> memref<1x2500x16xf32, #tpu.memory_space<hbm>>
      %dma_wait3A_219 = tpu.memref_squeeze %dma_wait3A_218 : memref<1x2500x16xf32, #tpu.memory_space<hbm>> -> memref<2500x16xf32, #tpu.memory_space<hbm>>
      %dma_wait3A_220 = arith.constant 0 : i32
      %dma_wait3A_221 = arith.constant 0 : i32
      %dma_wait3A_222 = tpu.memref_slice %arg4[%add3A, %dma_wait3A_220, %dma_wait3A_221] : memref<32x5000x16xf32, #tpu.memory_space<hbm>> -> memref<1x2500x16xf32, #tpu.memory_space<hbm>>
      %dma_wait3A_223 = tpu.memref_squeeze %dma_wait3A_222 : memref<1x2500x16xf32, #tpu.memory_space<hbm>> -> memref<2500x16xf32, #tpu.memory_space<hbm>>
      tpu.wait_dma2 semaphore(%run_scoped3A : memref<!tpu.dma_semaphore, #tpu.memory_space<semaphore_mem>>) src(%dma_wait3A_223 : memref<2500x16xf32, #tpu.memory_space<hbm>>) dst(%arg8 : memref<2500x16xf32, #tpu.memory_space<vmem>>)
      tpu.yield
    }) : () -> ()
    %scan3A = arith.constant 0 : i32
    %scan3A_12 = arith.constant 0 : i32
    %scan3A_13 = arith.constant 2496 : i32
    %scan3A_14 = arith.addi %scan3A_12, %scan3A_13 : i32
    %scan3A_15 = arith.constant 8 : i32
    scf.for %scan3A_210 = %scan3A_12 to %scan3A_14 step %scan3A_15  : i32 {
      %add3A_211 = arith.constant 0 : i32
      %add3A_212 = arith.addi %add3A_211, %scan3A_210 : i32
      %mul3A_213 = arith.constant 2 : i32
      %mul3A_214 = arith.muli %add3A_212, %mul3A_213 : i32
      %add3A_215 = vector.broadcast %mul3A_214 : i32 to vector<16xi32>
      %add3A_216 = arith.addi %add3A_215, %shift_right_arithmetic3A_4 : vector<16xi32>
      %gather3A_217 = tpu.vector_load_idx %arg6[%add3A_216] : memref<10000xi32, #tpu.memory_space<vmem>>[vector<16xi32>], vector<16xi32>,
      %shift_left3A_218 = arith.constant 2 : i32
      %shift_left3A_219 = vector.broadcast %shift_left3A_218 : i32 to vector<16xi32>
      %shift_left3A_220 = arith.shli %gather3A_217, %shift_left3A_219 : vector<16xi32>
      %or3A_221 = arith.ori %shift_left3A_220, %and3A_6 : vector<16xi32>
      %gather3A_222 = tpu.vector_load_idx %arg7[%or3A_221] : memref<40960xf32, #tpu.memory_space<vmem>>[vector<16xi32>], vector<16xf32>,
      %add3A_223 = arith.constant 0 : i32
      %add3A_224 = arith.addi %add3A_223, %scan3A_210 : i32
      %mul3A_225 = arith.constant 6 : i32
      %mul3A_226 = arith.muli %add3A_224, %mul3A_225 : i32
      %get3A_227 = arith.index_cast %scan3A_210 : i32 to index
      %get3A_228 = arith.constant 0 : index
      %get3A_229 = tpu.vector_load %arg8[%get3A_227, %get3A_228] {strides = array<i32>} : memref<2500x16xf32, #tpu.memory_space<vmem>>, vector<16xf32>,
      %add3A_230 = arith.addf %get3A_229, %gather3A_222 : vector<16xf32>
      %swap3A_231 = arith.index_cast %mul3A_226 : i32 to index
      %swap3A_232 = tpu.vector_load %arg9[%swap3A_231] masked %lt3A_11 {strides = array<i32>} : memref<30016xf32, #tpu.memory_space<vmem>>, vector<16xf32>, vector<16xi1>
      tpu.vector_store %arg9[%swap3A_231], %add3A_230 masked %lt3A_11 {strides = array<i32>} : memref<30016xf32, #tpu.memory_space<vmem>>, vector<16xf32>, vector<16xi1>
      %scan3A_233 = arith.constant 1 : i32
      %scan3A_234 = arith.addi %scan3A_210, %scan3A_233 : i32
      %add3A_235 = arith.constant 0 : i32
      %add3A_236 = arith.addi %add3A_235, %scan3A_234 : i32
      %mul3A_237 = arith.constant 2 : i32
      %mul3A_238 = arith.muli %add3A_236, %mul3A_237 : i32
      %add3A_239 = vector.broadcast %mul3A_238 : i32 to vector<16xi32>
      %add3A_240 = arith.addi %add3A_239, %shift_right_arithmetic3A_4 : vector<16xi32>
      %gather3A_241 = tpu.vector_load_idx %arg6[%add3A_240] : memref<10000xi32, #tpu.memory_space<vmem>>[vector<16xi32>], vector<16xi32>,
      %shift_left3A_242 = arith.constant 2 : i32
      %shift_left3A_243 = vector.broadcast %shift_left3A_242 : i32 to vector<16xi32>
      %shift_left3A_244 = arith.shli %gather3A_241, %shift_left3A_243 : vector<16xi32>
      %or3A_245 = arith.ori %shift_left3A_244, %and3A_6 : vector<16xi32>
      %gather3A_246 = tpu.vector_load_idx %arg7[%or3A_245] : memref<40960xf32, #tpu.memory_space<vmem>>[vector<16xi32>], vector<16xf32>,
      %add3A_247 = arith.constant 0 : i32
      %add3A_248 = arith.addi %add3A_247, %scan3A_234 : i32
      %mul3A_249 = arith.constant 6 : i32
      %mul3A_250 = arith.muli %add3A_248, %mul3A_249 : i32
      %get3A_251 = arith.index_cast %scan3A_234 : i32 to index
      %get3A_252 = arith.constant 0 : index
      %get3A_253 = tpu.vector_load %arg8[%get3A_251, %get3A_252] {strides = array<i32>} : memref<2500x16xf32, #tpu.memory_space<vmem>>, vector<16xf32>,
      %add3A_254 = arith.addf %get3A_253, %gather3A_246 : vector<16xf32>
      %swap3A_255 = arith.index_cast %mul3A_250 : i32 to index
      %swap3A_256 = tpu.vector_load %arg9[%swap3A_255] masked %lt3A_11 {strides = array<i32>} : memref<30016xf32, #tpu.memory_space<vmem>>, vector<16xf32>, vector<16xi1>
      tpu.vector_store %arg9[%swap3A_255], %add3A_254 masked %lt3A_11 {strides = array<i32>} : memref<30016xf32, #tpu.memory_space<vmem>>, vector<16xf32>, vector<16xi1>
      %scan3A_257 = arith.constant 2 : i32
      %scan3A_258 = arith.addi %scan3A_210, %scan3A_257 : i32
      %add3A_259 = arith.constant 0 : i32
      %add3A_260 = arith.addi %add3A_259, %scan3A_258 : i32
      %mul3A_261 = arith.constant 2 : i32
      %mul3A_262 = arith.muli %add3A_260, %mul3A_261 : i32
      %add3A_263 = vector.broadcast %mul3A_262 : i32 to vector<16xi32>
      %add3A_264 = arith.addi %add3A_263, %shift_right_arithmetic3A_4 : vector<16xi32>
      %gather3A_265 = tpu.vector_load_idx %arg6[%add3A_264] : memref<10000xi32, #tpu.memory_space<vmem>>[vector<16xi32>], vector<16xi32>,
      %shift_left3A_266 = arith.constant 2 : i32
      %shift_left3A_267 = vector.broadcast %shift_left3A_266 : i32 to vector<16xi32>
      %shift_left3A_268 = arith.shli %gather3A_265, %shift_left3A_267 : vector<16xi32>
      %or3A_269 = arith.ori %shift_left3A_268, %and3A_6 : vector<16xi32>
      %gather3A_270 = tpu.vector_load_idx %arg7[%or3A_269] : memref<40960xf32, #tpu.memory_space<vmem>>[vector<16xi32>], vector<16xf32>,
      %add3A_271 = arith.constant 0 : i32
      %add3A_272 = arith.addi %add3A_271, %scan3A_258 : i32
      %mul3A_273 = arith.constant 6 : i32
      %mul3A_274 = arith.muli %add3A_272, %mul3A_273 : i32
      %get3A_275 = arith.index_cast %scan3A_258 : i32 to index
      %get3A_276 = arith.constant 0 : index
      %get3A_277 = tpu.vector_load %arg8[%get3A_275, %get3A_276] {strides = array<i32>} : memref<2500x16xf32, #tpu.memory_space<vmem>>, vector<16xf32>,
      %add3A_278 = arith.addf %get3A_277, %gather3A_270 : vector<16xf32>
      %swap3A_279 = arith.index_cast %mul3A_274 : i32 to index
      %swap3A_280 = tpu.vector_load %arg9[%swap3A_279] masked %lt3A_11 {strides = array<i32>} : memref<30016xf32, #tpu.memory_space<vmem>>, vector<16xf32>, vector<16xi1>
      tpu.vector_store %arg9[%swap3A_279], %add3A_278 masked %lt3A_11 {strides = array<i32>} : memref<30016xf32, #tpu.memory_space<vmem>>, vector<16xf32>, vector<16xi1>
      %scan3A_281 = arith.constant 3 : i32
      %scan3A_282 = arith.addi %scan3A_210, %scan3A_281 : i32
      %add3A_283 = arith.constant 0 : i32
      %add3A_284 = arith.addi %add3A_283, %scan3A_282 : i32
      %mul3A_285 = arith.constant 2 : i32
      %mul3A_286 = arith.muli %add3A_284, %mul3A_285 : i32
      %add3A_287 = vector.broadcast %mul3A_286 : i32 to vector<16xi32>
      %add3A_288 = arith.addi %add3A_287, %shift_right_arithmetic3A_4 : vector<16xi32>
      %gather3A_289 = tpu.vector_load_idx %arg6[%add3A_288] : memref<10000xi32, #tpu.memory_space<vmem>>[vector<16xi32>], vector<16xi32>,
      %shift_left3A_290 = arith.constant 2 : i32
      %shift_left3A_291 = vector.broadcast %shift_left3A_290 : i32 to vector<16xi32>
      %shift_left3A_292 = arith.shli %gather3A_289, %shift_left3A_291 : vector<16xi32>
      %or3A_293 = arith.ori %shift_left3A_292, %and3A_6 : vector<16xi32>
      %gather3A_294 = tpu.vector_load_idx %arg7[%or3A_293] : memref<40960xf32, #tpu.memory_space<vmem>>[vector<16xi32>], vector<16xf32>,
      %add3A_295 = arith.constant 0 : i32
      %add3A_296 = arith.addi %add3A_295, %scan3A_282 : i32
      %mul3A_297 = arith.constant 6 : i32
      %mul3A_298 = arith.muli %add3A_296, %mul3A_297 : i32
      %get3A_299 = arith.index_cast %scan3A_282 : i32 to index
      %get3A_300 = arith.constant 0 : index
      %get3A_301 = tpu.vector_load %arg8[%get3A_299, %get3A_300] {strides = array<i32>} : memref<2500x16xf32, #tpu.memory_space<vmem>>, vector<16xf32>,
      %add3A_302 = arith.addf %get3A_301, %gather3A_294 : vector<16xf32>
      %swap3A_303 = arith.index_cast %mul3A_298 : i32 to index
      %swap3A_304 = tpu.vector_load %arg9[%swap3A_303] masked %lt3A_11 {strides = array<i32>} : memref<30016xf32, #tpu.memory_space<vmem>>, vector<16xf32>, vector<16xi1>
      tpu.vector_store %arg9[%swap3A_303], %add3A_302 masked %lt3A_11 {strides = array<i32>} : memref<30016xf32, #tpu.memory_space<vmem>>, vector<16xf32>, vector<16xi1>
      %scan3A_305 = arith.constant 4 : i32
      %scan3A_306 = arith.addi %scan3A_210, %scan3A_305 : i32
      %add3A_307 = arith.constant 0 : i32
      %add3A_308 = arith.addi %add3A_307, %scan3A_306 : i32
      %mul3A_309 = arith.constant 2 : i32
      %mul3A_310 = arith.muli %add3A_308, %mul3A_309 : i32
      %add3A_311 = vector.broadcast %mul3A_310 : i32 to vector<16xi32>
      %add3A_312 = arith.addi %add3A_311, %shift_right_arithmetic3A_4 : vector<16xi32>
      %gather3A_313 = tpu.vector_load_idx %arg6[%add3A_312] : memref<10000xi32, #tpu.memory_space<vmem>>[vector<16xi32>], vector<16xi32>,
      %shift_left3A_314 = arith.constant 2 : i32
      %shift_left3A_315 = vector.broadcast %shift_left3A_314 : i32 to vector<16xi32>
      %shift_left3A_316 = arith.shli %gather3A_313, %shift_left3A_315 : vector<16xi32>
      %or3A_317 = arith.ori %shift_left3A_316, %and3A_6 : vector<16xi32>
      %gather3A_318 = tpu.vector_load_idx %arg7[%or3A_317] : memref<40960xf32, #tpu.memory_space<vmem>>[vector<16xi32>], vector<16xf32>,
      %add3A_319 = arith.constant 0 : i32
      %add3A_320 = arith.addi %add3A_319, %scan3A_306 : i32
      %mul3A_321 = arith.constant 6 : i32
      %mul3A_322 = arith.muli %add3A_320, %mul3A_321 : i32
      %get3A_323 = arith.index_cast %scan3A_306 : i32 to index
      %get3A_324 = arith.constant 0 : index
      %get3A_325 = tpu.vector_load %arg8[%get3A_323, %get3A_324] {strides = array<i32>} : memref<2500x16xf32, #tpu.memory_space<vmem>>, vector<16xf32>,
      %add3A_326 = arith.addf %get3A_325, %gather3A_318 : vector<16xf32>
      %swap3A_327 = arith.index_cast %mul3A_322 : i32 to index
      %swap3A_328 = tpu.vector_load %arg9[%swap3A_327] masked %lt3A_11 {strides = array<i32>} : memref<30016xf32, #tpu.memory_space<vmem>>, vector<16xf32>, vector<16xi1>
      tpu.vector_store %arg9[%swap3A_327], %add3A_326 masked %lt3A_11 {strides = array<i32>} : memref<30016xf32, #tpu.memory_space<vmem>>, vector<16xf32>, vector<16xi1>
      %scan3A_329 = arith.constant 5 : i32
      %scan3A_330 = arith.addi %scan3A_210, %scan3A_329 : i32
      %add3A_331 = arith.constant 0 : i32
      %add3A_332 = arith.addi %add3A_331, %scan3A_330 : i32
      %mul3A_333 = arith.constant 2 : i32
      %mul3A_334 = arith.muli %add3A_332, %mul3A_333 : i32
      %add3A_335 = vector.broadcast %mul3A_334 : i32 to vector<16xi32>
      %add3A_336 = arith.addi %add3A_335, %shift_right_arithmetic3A_4 : vector<16xi32>
      %gather3A_337 = tpu.vector_load_idx %arg6[%add3A_336] : memref<10000xi32, #tpu.memory_space<vmem>>[vector<16xi32>], vector<16xi32>,
      %shift_left3A_338 = arith.constant 2 : i32
      %shift_left3A_339 = vector.broadcast %shift_left3A_338 : i32 to vector<16xi32>
      %shift_left3A_340 = arith.shli %gather3A_337, %shift_left3A_339 : vector<16xi32>
      %or3A_341 = arith.ori %shift_left3A_340, %and3A_6 : vector<16xi32>
      %gather3A_342 = tpu.vector_load_idx %arg7[%or3A_341] : memref<40960xf32, #tpu.memory_space<vmem>>[vector<16xi32>], vector<16xf32>,
      %add3A_343 = arith.constant 0 : i32
      %add3A_344 = arith.addi %add3A_343, %scan3A_330 : i32
      %mul3A_345 = arith.constant 6 : i32
      %mul3A_346 = arith.muli %add3A_344, %mul3A_345 : i32
      %get3A_347 = arith.index_cast %scan3A_330 : i32 to index
      %get3A_348 = arith.constant 0 : index
      %get3A_349 = tpu.vector_load %arg8[%get3A_347, %get3A_348] {strides = array<i32>} : memref<2500x16xf32, #tpu.memory_space<vmem>>, vector<16xf32>,
      %add3A_350 = arith.addf %get3A_349, %gather3A_342 : vector<16xf32>
      %swap3A_351 = arith.index_cast %mul3A_346 : i32 to index
      %swap3A_352 = tpu.vector_load %arg9[%swap3A_351] masked %lt3A_11 {strides = array<i32>} : memref<30016xf32, #tpu.memory_space<vmem>>, vector<16xf32>, vector<16xi1>
      tpu.vector_store %arg9[%swap3A_351], %add3A_350 masked %lt3A_11 {strides = array<i32>} : memref<30016xf32, #tpu.memory_space<vmem>>, vector<16xf32>, vector<16xi1>
      %scan3A_353 = arith.constant 6 : i32
      %scan3A_354 = arith.addi %scan3A_210, %scan3A_353 : i32
      %add3A_355 = arith.constant 0 : i32
      %add3A_356 = arith.addi %add3A_355, %scan3A_354 : i32
      %mul3A_357 = arith.constant 2 : i32
      %mul3A_358 = arith.muli %add3A_356, %mul3A_357 : i32
      %add3A_359 = vector.broadcast %mul3A_358 : i32 to vector<16xi32>
      %add3A_360 = arith.addi %add3A_359, %shift_right_arithmetic3A_4 : vector<16xi32>
      %gather3A_361 = tpu.vector_load_idx %arg6[%add3A_360] : memref<10000xi32, #tpu.memory_space<vmem>>[vector<16xi32>], vector<16xi32>,
      %shift_left3A_362 = arith.constant 2 : i32
      %shift_left3A_363 = vector.broadcast %shift_left3A_362 : i32 to vector<16xi32>
      %shift_left3A_364 = arith.shli %gather3A_361, %shift_left3A_363 : vector<16xi32>
      %or3A_365 = arith.ori %shift_left3A_364, %and3A_6 : vector<16xi32>
      %gather3A_366 = tpu.vector_load_idx %arg7[%or3A_365] : memref<40960xf32, #tpu.memory_space<vmem>>[vector<16xi32>], vector<16xf32>,
      %add3A_367 = arith.constant 0 : i32
      %add3A_368 = arith.addi %add3A_367, %scan3A_354 : i32
      %mul3A_369 = arith.constant 6 : i32
      %mul3A_370 = arith.muli %add3A_368, %mul3A_369 : i32
      %get3A_371 = arith.index_cast %scan3A_354 : i32 to index
      %get3A_372 = arith.constant 0 : index
      %get3A_373 = tpu.vector_load %arg8[%get3A_371, %get3A_372] {strides = array<i32>} : memref<2500x16xf32, #tpu.memory_space<vmem>>, vector<16xf32>,
      %add3A_374 = arith.addf %get3A_373, %gather3A_366 : vector<16xf32>
      %swap3A_375 = arith.index_cast %mul3A_370 : i32 to index
      %swap3A_376 = tpu.vector_load %arg9[%swap3A_375] masked %lt3A_11 {strides = array<i32>} : memref<30016xf32, #tpu.memory_space<vmem>>, vector<16xf32>, vector<16xi1>
      tpu.vector_store %arg9[%swap3A_375], %add3A_374 masked %lt3A_11 {strides = array<i32>} : memref<30016xf32, #tpu.memory_space<vmem>>, vector<16xf32>, vector<16xi1>
      %scan3A_377 = arith.constant 7 : i32
      %scan3A_378 = arith.addi %scan3A_210, %scan3A_377 : i32
      %add3A_379 = arith.constant 0 : i32
      %add3A_380 = arith.addi %add3A_379, %scan3A_378 : i32
      %mul3A_381 = arith.constant 2 : i32
      %mul3A_382 = arith.muli %add3A_380, %mul3A_381 : i32
      %add3A_383 = vector.broadcast %mul3A_382 : i32 to vector<16xi32>
      %add3A_384 = arith.addi %add3A_383, %shift_right_arithmetic3A_4 : vector<16xi32>
      %gather3A_385 = tpu.vector_load_idx %arg6[%add3A_384] : memref<10000xi32, #tpu.memory_space<vmem>>[vector<16xi32>], vector<16xi32>,
      %shift_left3A_386 = arith.constant 2 : i32
      %shift_left3A_387 = vector.broadcast %shift_left3A_386 : i32 to vector<16xi32>
      %shift_left3A_388 = arith.shli %gather3A_385, %shift_left3A_387 : vector<16xi32>
      %or3A_389 = arith.ori %shift_left3A_388, %and3A_6 : vector<16xi32>
      %gather3A_390 = tpu.vector_load_idx %arg7[%or3A_389] : memref<40960xf32, #tpu.memory_space<vmem>>[vector<16xi32>], vector<16xf32>,
      %add3A_391 = arith.constant 0 : i32
      %add3A_392 = arith.addi %add3A_391, %scan3A_378 : i32
      %mul3A_393 = arith.constant 6 : i32
      %mul3A_394 = arith.muli %add3A_392, %mul3A_393 : i32
      %get3A_395 = arith.index_cast %scan3A_378 : i32 to index
      %get3A_396 = arith.constant 0 : index
      %get3A_397 = tpu.vector_load %arg8[%get3A_395, %get3A_396] {strides = array<i32>} : memref<2500x16xf32, #tpu.memory_space<vmem>>, vector<16xf32>,
      %add3A_398 = arith.addf %get3A_397, %gather3A_390 : vector<16xf32>
      %swap3A_399 = arith.index_cast %mul3A_394 : i32 to index
      %swap3A_400 = tpu.vector_load %arg9[%swap3A_399] masked %lt3A_11 {strides = array<i32>} : memref<30016xf32, #tpu.memory_space<vmem>>, vector<16xf32>, vector<16xi1>
      tpu.vector_store %arg9[%swap3A_399], %add3A_398 masked %lt3A_11 {strides = array<i32>} : memref<30016xf32, #tpu.memory_space<vmem>>, vector<16xf32>, vector<16xi1>
    }
    %scan3A_16 = arith.constant 2496 : i32
    %scan3A_17 = arith.addi %scan3A_12, %scan3A_16 : i32
    %add3A_18 = arith.constant 0 : i32
    %add3A_19 = arith.addi %add3A_18, %scan3A_17 : i32
    %mul3A_20 = arith.constant 2 : i32
    %mul3A_21 = arith.muli %add3A_19, %mul3A_20 : i32
    %add3A_22 = vector.broadcast %mul3A_21 : i32 to vector<16xi32>
    %add3A_23 = arith.addi %add3A_22, %shift_right_arithmetic3A_4 : vector<16xi32>
    %gather3A = tpu.vector_load_idx %arg6[%add3A_23] : memref<10000xi32, #tpu.memory_space<vmem>>[vector<16xi32>], vector<16xi32>,
    %shift_left3A = arith.constant 2 : i32
    %shift_left3A_24 = vector.broadcast %shift_left3A : i32 to vector<16xi32>
    %shift_left3A_25 = arith.shli %gather3A, %shift_left3A_24 : vector<16xi32>
    %or3A = arith.ori %shift_left3A_25, %and3A_6 : vector<16xi32>
    %gather3A_26 = tpu.vector_load_idx %arg7[%or3A] : memref<40960xf32, #tpu.memory_space<vmem>>[vector<16xi32>], vector<16xf32>,
    %add3A_27 = arith.constant 0 : i32
    %add3A_28 = arith.addi %add3A_27, %scan3A_17 : i32
    %mul3A_29 = arith.constant 6 : i32
    %mul3A_30 = arith.muli %add3A_28, %mul3A_29 : i32
    %get3A = arith.index_cast %scan3A_17 : i32 to index
    %get3A_31 = arith.constant 0 : index
    %get3A_32 = tpu.vector_load %arg8[%get3A, %get3A_31] {strides = array<i32>} : memref<2500x16xf32, #tpu.memory_space<vmem>>, vector<16xf32>,
    %add3A_33 = arith.addf %get3A_32, %gather3A_26 : vector<16xf32>
    %swap3A = arith.index_cast %mul3A_30 : i32 to index
    %swap3A_34 = tpu.vector_load %arg9[%swap3A] masked %lt3A_11 {strides = array<i32>} : memref<30016xf32, #tpu.memory_space<vmem>>, vector<16xf32>, vector<16xi1>
    tpu.vector_store %arg9[%swap3A], %add3A_33 masked %lt3A_11 {strides = array<i32>} : memref<30016xf32, #tpu.memory_space<vmem>>, vector<16xf32>, vector<16xi1>
    %scan3A_35 = arith.constant 2497 : i32
    %scan3A_36 = arith.addi %scan3A_12, %scan3A_35 : i32
    %add3A_37 = arith.constant 0 : i32
    %add3A_38 = arith.addi %add3A_37, %scan3A_36 : i32
    %mul3A_39 = arith.constant 2 : i32
    %mul3A_40 = arith.muli %add3A_38, %mul3A_39 : i32
    %add3A_41 = vector.broadcast %mul3A_40 : i32 to vector<16xi32>
    %add3A_42 = arith.addi %add3A_41, %shift_right_arithmetic3A_4 : vector<16xi32>
    %gather3A_43 = tpu.vector_load_idx %arg6[%add3A_42] : memref<10000xi32, #tpu.memory_space<vmem>>[vector<16xi32>], vector<16xi32>,
    %shift_left3A_44 = arith.constant 2 : i32
    %shift_left3A_45 = vector.broadcast %shift_left3A_44 : i32 to vector<16xi32>
    %shift_left3A_46 = arith.shli %gather3A_43, %shift_left3A_45 : vector<16xi32>
    %or3A_47 = arith.ori %shift_left3A_46, %and3A_6 : vector<16xi32>
    %gather3A_48 = tpu.vector_load_idx %arg7[%or3A_47] : memref<40960xf32, #tpu.memory_space<vmem>>[vector<16xi32>], vector<16xf32>,
    %add3A_49 = arith.constant 0 : i32
    %add3A_50 = arith.addi %add3A_49, %scan3A_36 : i32
    %mul3A_51 = arith.constant 6 : i32
    %mul3A_52 = arith.muli %add3A_50, %mul3A_51 : i32
    %get3A_53 = arith.index_cast %scan3A_36 : i32 to index
    %get3A_54 = arith.constant 0 : index
    %get3A_55 = tpu.vector_load %arg8[%get3A_53, %get3A_54] {strides = array<i32>} : memref<2500x16xf32, #tpu.memory_space<vmem>>, vector<16xf32>,
    %add3A_56 = arith.addf %get3A_55, %gather3A_48 : vector<16xf32>
    %swap3A_57 = arith.index_cast %mul3A_52 : i32 to index
    %swap3A_58 = tpu.vector_load %arg9[%swap3A_57] masked %lt3A_11 {strides = array<i32>} : memref<30016xf32, #tpu.memory_space<vmem>>, vector<16xf32>, vector<16xi1>
    tpu.vector_store %arg9[%swap3A_57], %add3A_56 masked %lt3A_11 {strides = array<i32>} : memref<30016xf32, #tpu.memory_space<vmem>>, vector<16xf32>, vector<16xi1>
    %scan3A_59 = arith.constant 2498 : i32
    %scan3A_60 = arith.addi %scan3A_12, %scan3A_59 : i32
    %add3A_61 = arith.constant 0 : i32
    %add3A_62 = arith.addi %add3A_61, %scan3A_60 : i32
    %mul3A_63 = arith.constant 2 : i32
    %mul3A_64 = arith.muli %add3A_62, %mul3A_63 : i32
    %add3A_65 = vector.broadcast %mul3A_64 : i32 to vector<16xi32>
    %add3A_66 = arith.addi %add3A_65, %shift_right_arithmetic3A_4 : vector<16xi32>
    %gather3A_67 = tpu.vector_load_idx %arg6[%add3A_66] : memref<10000xi32, #tpu.memory_space<vmem>>[vector<16xi32>], vector<16xi32>,
    %shift_left3A_68 = arith.constant 2 : i32
    %shift_left3A_69 = vector.broadcast %shift_left3A_68 : i32 to vector<16xi32>
    %shift_left3A_70 = arith.shli %gather3A_67, %shift_left3A_69 : vector<16xi32>
    %or3A_71 = arith.ori %shift_left3A_70, %and3A_6 : vector<16xi32>
    %gather3A_72 = tpu.vector_load_idx %arg7[%or3A_71] : memref<40960xf32, #tpu.memory_space<vmem>>[vector<16xi32>], vector<16xf32>,
    %add3A_73 = arith.constant 0 : i32
    %add3A_74 = arith.addi %add3A_73, %scan3A_60 : i32
    %mul3A_75 = arith.constant 6 : i32
    %mul3A_76 = arith.muli %add3A_74, %mul3A_75 : i32
    %get3A_77 = arith.index_cast %scan3A_60 : i32 to index
    %get3A_78 = arith.constant 0 : index
    %get3A_79 = tpu.vector_load %arg8[%get3A_77, %get3A_78] {strides = array<i32>} : memref<2500x16xf32, #tpu.memory_space<vmem>>, vector<16xf32>,
    %add3A_80 = arith.addf %get3A_79, %gather3A_72 : vector<16xf32>
    %swap3A_81 = arith.index_cast %mul3A_76 : i32 to index
    %swap3A_82 = tpu.vector_load %arg9[%swap3A_81] masked %lt3A_11 {strides = array<i32>} : memref<30016xf32, #tpu.memory_space<vmem>>, vector<16xf32>, vector<16xi1>
    tpu.vector_store %arg9[%swap3A_81], %add3A_80 masked %lt3A_11 {strides = array<i32>} : memref<30016xf32, #tpu.memory_space<vmem>>, vector<16xf32>, vector<16xi1>
    %scan3A_83 = arith.constant 2499 : i32
    %scan3A_84 = arith.addi %scan3A_12, %scan3A_83 : i32
    %add3A_85 = arith.constant 0 : i32
    %add3A_86 = arith.addi %add3A_85, %scan3A_84 : i32
    %mul3A_87 = arith.constant 2 : i32
    %mul3A_88 = arith.muli %add3A_86, %mul3A_87 : i32
    %add3A_89 = vector.broadcast %mul3A_88 : i32 to vector<16xi32>
    %add3A_90 = arith.addi %add3A_89, %shift_right_arithmetic3A_4 : vector<16xi32>
    %gather3A_91 = tpu.vector_load_idx %arg6[%add3A_90] : memref<10000xi32, #tpu.memory_space<vmem>>[vector<16xi32>], vector<16xi32>,
    %shift_left3A_92 = arith.constant 2 : i32
    %shift_left3A_93 = vector.broadcast %shift_left3A_92 : i32 to vector<16xi32>
    %shift_left3A_94 = arith.shli %gather3A_91, %shift_left3A_93 : vector<16xi32>
    %or3A_95 = arith.ori %shift_left3A_94, %and3A_6 : vector<16xi32>
    %gather3A_96 = tpu.vector_load_idx %arg7[%or3A_95] : memref<40960xf32, #tpu.memory_space<vmem>>[vector<16xi32>], vector<16xf32>,
    %add3A_97 = arith.constant 0 : i32
    %add3A_98 = arith.addi %add3A_97, %scan3A_84 : i32
    %mul3A_99 = arith.constant 6 : i32
    %mul3A_100 = arith.muli %add3A_98, %mul3A_99 : i32
    %get3A_101 = arith.index_cast %scan3A_84 : i32 to index
    %get3A_102 = arith.constant 0 : index
    %get3A_103 = tpu.vector_load %arg8[%get3A_101, %get3A_102] {strides = array<i32>} : memref<2500x16xf32, #tpu.memory_space<vmem>>, vector<16xf32>,
    %add3A_104 = arith.addf %get3A_103, %gather3A_96 : vector<16xf32>
    %swap3A_105 = arith.index_cast %mul3A_100 : i32 to index
    %swap3A_106 = tpu.vector_load %arg9[%swap3A_105] masked %lt3A_11 {strides = array<i32>} : memref<30016xf32, #tpu.memory_space<vmem>>, vector<16xf32>, vector<16xi1>
    tpu.vector_store %arg9[%swap3A_105], %add3A_104 masked %lt3A_11 {strides = array<i32>} : memref<30016xf32, #tpu.memory_space<vmem>>, vector<16xf32>, vector<16xi1>
    %scan3A_107 = arith.constant 2500 : i32
    "tpu.region"() ({
      %run_scoped3A = tpu.sem_alloc : memref<!tpu.dma_semaphore, #tpu.memory_space<semaphore_mem>>
      %dma_start3A = arith.constant 2500 : i32
      %dma_start3A_210 = arith.constant 0 : i32
      %dma_start3A_211 = tpu.memref_slice %arg4[%add3A, %dma_start3A, %dma_start3A_210] : memref<32x5000x16xf32, #tpu.memory_space<hbm>> -> memref<1x2500x16xf32, #tpu.memory_space<hbm>>
      %dma_start3A_212 = tpu.memref_squeeze %dma_start3A_211 : memref<1x2500x16xf32, #tpu.memory_space<hbm>> -> memref<2500x16xf32, #tpu.memory_space<hbm>>
      %dma_start3A_213 = arith.constant 2500 : i32
      %dma_start3A_214 = arith.constant 0 : i32
      %dma_start3A_215 = tpu.memref_slice %arg4[%add3A, %dma_start3A_213, %dma_start3A_214] : memref<32x5000x16xf32, #tpu.memory_space<hbm>> -> memref<1x2500x16xf32, #tpu.memory_space<hbm>>
      %dma_start3A_216 = tpu.memref_squeeze %dma_start3A_215 : memref<1x2500x16xf32, #tpu.memory_space<hbm>> -> memref<2500x16xf32, #tpu.memory_space<hbm>>
      tpu.enqueue_dma source(%dma_start3A_216 : memref<2500x16xf32, #tpu.memory_space<hbm>>) target(%arg8 : memref<2500x16xf32, #tpu.memory_space<vmem>>) target_semaphore(%run_scoped3A : memref<!tpu.dma_semaphore, #tpu.memory_space<semaphore_mem>>)
      %dma_wait3A = arith.constant 2500 : i32
      %dma_wait3A_217 = arith.constant 0 : i32
      %dma_wait3A_218 = tpu.memref_slice %arg4[%add3A, %dma_wait3A, %dma_wait3A_217] : memref<32x5000x16xf32, #tpu.memory_space<hbm>> -> memref<1x2500x16xf32, #tpu.memory_space<hbm>>
      %dma_wait3A_219 = tpu.memref_squeeze %dma_wait3A_218 : memref<1x2500x16xf32, #tpu.memory_space<hbm>> -> memref<2500x16xf32, #tpu.memory_space<hbm>>
      %dma_wait3A_220 = arith.constant 2500 : i32
      %dma_wait3A_221 = arith.constant 0 : i32
      %dma_wait3A_222 = tpu.memref_slice %arg4[%add3A, %dma_wait3A_220, %dma_wait3A_221] : memref<32x5000x16xf32, #tpu.memory_space<hbm>> -> memref<1x2500x16xf32, #tpu.memory_space<hbm>>
      %dma_wait3A_223 = tpu.memref_squeeze %dma_wait3A_222 : memref<1x2500x16xf32, #tpu.memory_space<hbm>> -> memref<2500x16xf32, #tpu.memory_space<hbm>>
      tpu.wait_dma2 semaphore(%run_scoped3A : memref<!tpu.dma_semaphore, #tpu.memory_space<semaphore_mem>>) src(%dma_wait3A_223 : memref<2500x16xf32, #tpu.memory_space<hbm>>) dst(%arg8 : memref<2500x16xf32, #tpu.memory_space<vmem>>)
      tpu.yield
    }) : () -> ()
    %scan3A_108 = arith.constant 0 : i32
    %scan3A_109 = arith.constant 0 : i32
    %scan3A_110 = arith.constant 2496 : i32
    %scan3A_111 = arith.addi %scan3A_109, %scan3A_110 : i32
    %scan3A_112 = arith.constant 8 : i32
    scf.for %scan3A_210 = %scan3A_109 to %scan3A_111 step %scan3A_112  : i32 {
      %add3A_211 = arith.constant 2500 : i32
      %add3A_212 = arith.addi %add3A_211, %scan3A_210 : i32
      %mul3A_213 = arith.constant 2 : i32
      %mul3A_214 = arith.muli %add3A_212, %mul3A_213 : i32
      %add3A_215 = vector.broadcast %mul3A_214 : i32 to vector<16xi32>
      %add3A_216 = arith.addi %add3A_215, %shift_right_arithmetic3A_4 : vector<16xi32>
      %gather3A_217 = tpu.vector_load_idx %arg6[%add3A_216] : memref<10000xi32, #tpu.memory_space<vmem>>[vector<16xi32>], vector<16xi32>,
      %shift_left3A_218 = arith.constant 2 : i32
      %shift_left3A_219 = vector.broadcast %shift_left3A_218 : i32 to vector<16xi32>
      %shift_left3A_220 = arith.shli %gather3A_217, %shift_left3A_219 : vector<16xi32>
      %or3A_221 = arith.ori %shift_left3A_220, %and3A_6 : vector<16xi32>
      %gather3A_222 = tpu.vector_load_idx %arg7[%or3A_221] : memref<40960xf32, #tpu.memory_space<vmem>>[vector<16xi32>], vector<16xf32>,
      %add3A_223 = arith.constant 2500 : i32
      %add3A_224 = arith.addi %add3A_223, %scan3A_210 : i32
      %mul3A_225 = arith.constant 6 : i32
      %mul3A_226 = arith.muli %add3A_224, %mul3A_225 : i32
      %get3A_227 = arith.index_cast %scan3A_210 : i32 to index
      %get3A_228 = arith.constant 0 : index
      %get3A_229 = tpu.vector_load %arg8[%get3A_227, %get3A_228] {strides = array<i32>} : memref<2500x16xf32, #tpu.memory_space<vmem>>, vector<16xf32>,
      %add3A_230 = arith.addf %get3A_229, %gather3A_222 : vector<16xf32>
      %swap3A_231 = arith.index_cast %mul3A_226 : i32 to index
      %swap3A_232 = tpu.vector_load %arg9[%swap3A_231] masked %lt3A_11 {strides = array<i32>} : memref<30016xf32, #tpu.memory_space<vmem>>, vector<16xf32>, vector<16xi1>
      tpu.vector_store %arg9[%swap3A_231], %add3A_230 masked %lt3A_11 {strides = array<i32>} : memref<30016xf32, #tpu.memory_space<vmem>>, vector<16xf32>, vector<16xi1>
      %scan3A_233 = arith.constant 1 : i32
      %scan3A_234 = arith.addi %scan3A_210, %scan3A_233 : i32
      %add3A_235 = arith.constant 2500 : i32
      %add3A_236 = arith.addi %add3A_235, %scan3A_234 : i32
      %mul3A_237 = arith.constant 2 : i32
      %mul3A_238 = arith.muli %add3A_236, %mul3A_237 : i32
      %add3A_239 = vector.broadcast %mul3A_238 : i32 to vector<16xi32>
      %add3A_240 = arith.addi %add3A_239, %shift_right_arithmetic3A_4 : vector<16xi32>
      %gather3A_241 = tpu.vector_load_idx %arg6[%add3A_240] : memref<10000xi32, #tpu.memory_space<vmem>>[vector<16xi32>], vector<16xi32>,
      %shift_left3A_242 = arith.constant 2 : i32
      %shift_left3A_243 = vector.broadcast %shift_left3A_242 : i32 to vector<16xi32>
      %shift_left3A_244 = arith.shli %gather3A_241, %shift_left3A_243 : vector<16xi32>
      %or3A_245 = arith.ori %shift_left3A_244, %and3A_6 : vector<16xi32>
      %gather3A_246 = tpu.vector_load_idx %arg7[%or3A_245] : memref<40960xf32, #tpu.memory_space<vmem>>[vector<16xi32>], vector<16xf32>,
      %add3A_247 = arith.constant 2500 : i32
      %add3A_248 = arith.addi %add3A_247, %scan3A_234 : i32
      %mul3A_249 = arith.constant 6 : i32
      %mul3A_250 = arith.muli %add3A_248, %mul3A_249 : i32
      %get3A_251 = arith.index_cast %scan3A_234 : i32 to index
      %get3A_252 = arith.constant 0 : index
      %get3A_253 = tpu.vector_load %arg8[%get3A_251, %get3A_252] {strides = array<i32>} : memref<2500x16xf32, #tpu.memory_space<vmem>>, vector<16xf32>,
      %add3A_254 = arith.addf %get3A_253, %gather3A_246 : vector<16xf32>
      %swap3A_255 = arith.index_cast %mul3A_250 : i32 to index
      %swap3A_256 = tpu.vector_load %arg9[%swap3A_255] masked %lt3A_11 {strides = array<i32>} : memref<30016xf32, #tpu.memory_space<vmem>>, vector<16xf32>, vector<16xi1>
      tpu.vector_store %arg9[%swap3A_255], %add3A_254 masked %lt3A_11 {strides = array<i32>} : memref<30016xf32, #tpu.memory_space<vmem>>, vector<16xf32>, vector<16xi1>
      %scan3A_257 = arith.constant 2 : i32
      %scan3A_258 = arith.addi %scan3A_210, %scan3A_257 : i32
      %add3A_259 = arith.constant 2500 : i32
      %add3A_260 = arith.addi %add3A_259, %scan3A_258 : i32
      %mul3A_261 = arith.constant 2 : i32
      %mul3A_262 = arith.muli %add3A_260, %mul3A_261 : i32
      %add3A_263 = vector.broadcast %mul3A_262 : i32 to vector<16xi32>
      %add3A_264 = arith.addi %add3A_263, %shift_right_arithmetic3A_4 : vector<16xi32>
      %gather3A_265 = tpu.vector_load_idx %arg6[%add3A_264] : memref<10000xi32, #tpu.memory_space<vmem>>[vector<16xi32>], vector<16xi32>,
      %shift_left3A_266 = arith.constant 2 : i32
      %shift_left3A_267 = vector.broadcast %shift_left3A_266 : i32 to vector<16xi32>
      %shift_left3A_268 = arith.shli %gather3A_265, %shift_left3A_267 : vector<16xi32>
      %or3A_269 = arith.ori %shift_left3A_268, %and3A_6 : vector<16xi32>
      %gather3A_270 = tpu.vector_load_idx %arg7[%or3A_269] : memref<40960xf32, #tpu.memory_space<vmem>>[vector<16xi32>], vector<16xf32>,
      %add3A_271 = arith.constant 2500 : i32
      %add3A_272 = arith.addi %add3A_271, %scan3A_258 : i32
      %mul3A_273 = arith.constant 6 : i32
      %mul3A_274 = arith.muli %add3A_272, %mul3A_273 : i32
      %get3A_275 = arith.index_cast %scan3A_258 : i32 to index
      %get3A_276 = arith.constant 0 : index
      %get3A_277 = tpu.vector_load %arg8[%get3A_275, %get3A_276] {strides = array<i32>} : memref<2500x16xf32, #tpu.memory_space<vmem>>, vector<16xf32>,
      %add3A_278 = arith.addf %get3A_277, %gather3A_270 : vector<16xf32>
      %swap3A_279 = arith.index_cast %mul3A_274 : i32 to index
      %swap3A_280 = tpu.vector_load %arg9[%swap3A_279] masked %lt3A_11 {strides = array<i32>} : memref<30016xf32, #tpu.memory_space<vmem>>, vector<16xf32>, vector<16xi1>
      tpu.vector_store %arg9[%swap3A_279], %add3A_278 masked %lt3A_11 {strides = array<i32>} : memref<30016xf32, #tpu.memory_space<vmem>>, vector<16xf32>, vector<16xi1>
      %scan3A_281 = arith.constant 3 : i32
      %scan3A_282 = arith.addi %scan3A_210, %scan3A_281 : i32
      %add3A_283 = arith.constant 2500 : i32
      %add3A_284 = arith.addi %add3A_283, %scan3A_282 : i32
      %mul3A_285 = arith.constant 2 : i32
      %mul3A_286 = arith.muli %add3A_284, %mul3A_285 : i32
      %add3A_287 = vector.broadcast %mul3A_286 : i32 to vector<16xi32>
      %add3A_288 = arith.addi %add3A_287, %shift_right_arithmetic3A_4 : vector<16xi32>
      %gather3A_289 = tpu.vector_load_idx %arg6[%add3A_288] : memref<10000xi32, #tpu.memory_space<vmem>>[vector<16xi32>], vector<16xi32>,
      %shift_left3A_290 = arith.constant 2 : i32
      %shift_left3A_291 = vector.broadcast %shift_left3A_290 : i32 to vector<16xi32>
      %shift_left3A_292 = arith.shli %gather3A_289, %shift_left3A_291 : vector<16xi32>
      %or3A_293 = arith.ori %shift_left3A_292, %and3A_6 : vector<16xi32>
      %gather3A_294 = tpu.vector_load_idx %arg7[%or3A_293] : memref<40960xf32, #tpu.memory_space<vmem>>[vector<16xi32>], vector<16xf32>,
      %add3A_295 = arith.constant 2500 : i32
      %add3A_296 = arith.addi %add3A_295, %scan3A_282 : i32
      %mul3A_297 = arith.constant 6 : i32
      %mul3A_298 = arith.muli %add3A_296, %mul3A_297 : i32
      %get3A_299 = arith.index_cast %scan3A_282 : i32 to index
      %get3A_300 = arith.constant 0 : index
      %get3A_301 = tpu.vector_load %arg8[%get3A_299, %get3A_300] {strides = array<i32>} : memref<2500x16xf32, #tpu.memory_space<vmem>>, vector<16xf32>,
      %add3A_302 = arith.addf %get3A_301, %gather3A_294 : vector<16xf32>
      %swap3A_303 = arith.index_cast %mul3A_298 : i32 to index
      %swap3A_304 = tpu.vector_load %arg9[%swap3A_303] masked %lt3A_11 {strides = array<i32>} : memref<30016xf32, #tpu.memory_space<vmem>>, vector<16xf32>, vector<16xi1>
      tpu.vector_store %arg9[%swap3A_303], %add3A_302 masked %lt3A_11 {strides = array<i32>} : memref<30016xf32, #tpu.memory_space<vmem>>, vector<16xf32>, vector<16xi1>
      %scan3A_305 = arith.constant 4 : i32
      %scan3A_306 = arith.addi %scan3A_210, %scan3A_305 : i32
      %add3A_307 = arith.constant 2500 : i32
      %add3A_308 = arith.addi %add3A_307, %scan3A_306 : i32
      %mul3A_309 = arith.constant 2 : i32
      %mul3A_310 = arith.muli %add3A_308, %mul3A_309 : i32
      %add3A_311 = vector.broadcast %mul3A_310 : i32 to vector<16xi32>
      %add3A_312 = arith.addi %add3A_311, %shift_right_arithmetic3A_4 : vector<16xi32>
      %gather3A_313 = tpu.vector_load_idx %arg6[%add3A_312] : memref<10000xi32, #tpu.memory_space<vmem>>[vector<16xi32>], vector<16xi32>,
      %shift_left3A_314 = arith.constant 2 : i32
      %shift_left3A_315 = vector.broadcast %shift_left3A_314 : i32 to vector<16xi32>
      %shift_left3A_316 = arith.shli %gather3A_313, %shift_left3A_315 : vector<16xi32>
      %or3A_317 = arith.ori %shift_left3A_316, %and3A_6 : vector<16xi32>
      %gather3A_318 = tpu.vector_load_idx %arg7[%or3A_317] : memref<40960xf32, #tpu.memory_space<vmem>>[vector<16xi32>], vector<16xf32>,
      %add3A_319 = arith.constant 2500 : i32
      %add3A_320 = arith.addi %add3A_319, %scan3A_306 : i32
      %mul3A_321 = arith.constant 6 : i32
      %mul3A_322 = arith.muli %add3A_320, %mul3A_321 : i32
      %get3A_323 = arith.index_cast %scan3A_306 : i32 to index
      %get3A_324 = arith.constant 0 : index
      %get3A_325 = tpu.vector_load %arg8[%get3A_323, %get3A_324] {strides = array<i32>} : memref<2500x16xf32, #tpu.memory_space<vmem>>, vector<16xf32>,
      %add3A_326 = arith.addf %get3A_325, %gather3A_318 : vector<16xf32>
      %swap3A_327 = arith.index_cast %mul3A_322 : i32 to index
      %swap3A_328 = tpu.vector_load %arg9[%swap3A_327] masked %lt3A_11 {strides = array<i32>} : memref<30016xf32, #tpu.memory_space<vmem>>, vector<16xf32>, vector<16xi1>
      tpu.vector_store %arg9[%swap3A_327], %add3A_326 masked %lt3A_11 {strides = array<i32>} : memref<30016xf32, #tpu.memory_space<vmem>>, vector<16xf32>, vector<16xi1>
      %scan3A_329 = arith.constant 5 : i32
      %scan3A_330 = arith.addi %scan3A_210, %scan3A_329 : i32
      %add3A_331 = arith.constant 2500 : i32
      %add3A_332 = arith.addi %add3A_331, %scan3A_330 : i32
      %mul3A_333 = arith.constant 2 : i32
      %mul3A_334 = arith.muli %add3A_332, %mul3A_333 : i32
      %add3A_335 = vector.broadcast %mul3A_334 : i32 to vector<16xi32>
      %add3A_336 = arith.addi %add3A_335, %shift_right_arithmetic3A_4 : vector<16xi32>
      %gather3A_337 = tpu.vector_load_idx %arg6[%add3A_336] : memref<10000xi32, #tpu.memory_space<vmem>>[vector<16xi32>], vector<16xi32>,
      %shift_left3A_338 = arith.constant 2 : i32
      %shift_left3A_339 = vector.broadcast %shift_left3A_338 : i32 to vector<16xi32>
      %shift_left3A_340 = arith.shli %gather3A_337, %shift_left3A_339 : vector<16xi32>
      %or3A_341 = arith.ori %shift_left3A_340, %and3A_6 : vector<16xi32>
      %gather3A_342 = tpu.vector_load_idx %arg7[%or3A_341] : memref<40960xf32, #tpu.memory_space<vmem>>[vector<16xi32>], vector<16xf32>,
      %add3A_343 = arith.constant 2500 : i32
      %add3A_344 = arith.addi %add3A_343, %scan3A_330 : i32
      %mul3A_345 = arith.constant 6 : i32
      %mul3A_346 = arith.muli %add3A_344, %mul3A_345 : i32
      %get3A_347 = arith.index_cast %scan3A_330 : i32 to index
      %get3A_348 = arith.constant 0 : index
      %get3A_349 = tpu.vector_load %arg8[%get3A_347, %get3A_348] {strides = array<i32>} : memref<2500x16xf32, #tpu.memory_space<vmem>>, vector<16xf32>,
      %add3A_350 = arith.addf %get3A_349, %gather3A_342 : vector<16xf32>
      %swap3A_351 = arith.index_cast %mul3A_346 : i32 to index
      %swap3A_352 = tpu.vector_load %arg9[%swap3A_351] masked %lt3A_11 {strides = array<i32>} : memref<30016xf32, #tpu.memory_space<vmem>>, vector<16xf32>, vector<16xi1>
      tpu.vector_store %arg9[%swap3A_351], %add3A_350 masked %lt3A_11 {strides = array<i32>} : memref<30016xf32, #tpu.memory_space<vmem>>, vector<16xf32>, vector<16xi1>
      %scan3A_353 = arith.constant 6 : i32
      %scan3A_354 = arith.addi %scan3A_210, %scan3A_353 : i32
      %add3A_355 = arith.constant 2500 : i32
      %add3A_356 = arith.addi %add3A_355, %scan3A_354 : i32
      %mul3A_357 = arith.constant 2 : i32
      %mul3A_358 = arith.muli %add3A_356, %mul3A_357 : i32
      %add3A_359 = vector.broadcast %mul3A_358 : i32 to vector<16xi32>
      %add3A_360 = arith.addi %add3A_359, %shift_right_arithmetic3A_4 : vector<16xi32>
      %gather3A_361 = tpu.vector_load_idx %arg6[%add3A_360] : memref<10000xi32, #tpu.memory_space<vmem>>[vector<16xi32>], vector<16xi32>,
      %shift_left3A_362 = arith.constant 2 : i32
      %shift_left3A_363 = vector.broadcast %shift_left3A_362 : i32 to vector<16xi32>
      %shift_left3A_364 = arith.shli %gather3A_361, %shift_left3A_363 : vector<16xi32>
      %or3A_365 = arith.ori %shift_left3A_364, %and3A_6 : vector<16xi32>
      %gather3A_366 = tpu.vector_load_idx %arg7[%or3A_365] : memref<40960xf32, #tpu.memory_space<vmem>>[vector<16xi32>], vector<16xf32>,
      %add3A_367 = arith.constant 2500 : i32
      %add3A_368 = arith.addi %add3A_367, %scan3A_354 : i32
      %mul3A_369 = arith.constant 6 : i32
      %mul3A_370 = arith.muli %add3A_368, %mul3A_369 : i32
      %get3A_371 = arith.index_cast %scan3A_354 : i32 to index
      %get3A_372 = arith.constant 0 : index
      %get3A_373 = tpu.vector_load %arg8[%get3A_371, %get3A_372] {strides = array<i32>} : memref<2500x16xf32, #tpu.memory_space<vmem>>, vector<16xf32>,
      %add3A_374 = arith.addf %get3A_373, %gather3A_366 : vector<16xf32>
      %swap3A_375 = arith.index_cast %mul3A_370 : i32 to index
      %swap3A_376 = tpu.vector_load %arg9[%swap3A_375] masked %lt3A_11 {strides = array<i32>} : memref<30016xf32, #tpu.memory_space<vmem>>, vector<16xf32>, vector<16xi1>
      tpu.vector_store %arg9[%swap3A_375], %add3A_374 masked %lt3A_11 {strides = array<i32>} : memref<30016xf32, #tpu.memory_space<vmem>>, vector<16xf32>, vector<16xi1>
      %scan3A_377 = arith.constant 7 : i32
      %scan3A_378 = arith.addi %scan3A_210, %scan3A_377 : i32
      %add3A_379 = arith.constant 2500 : i32
      %add3A_380 = arith.addi %add3A_379, %scan3A_378 : i32
      %mul3A_381 = arith.constant 2 : i32
      %mul3A_382 = arith.muli %add3A_380, %mul3A_381 : i32
      %add3A_383 = vector.broadcast %mul3A_382 : i32 to vector<16xi32>
      %add3A_384 = arith.addi %add3A_383, %shift_right_arithmetic3A_4 : vector<16xi32>
      %gather3A_385 = tpu.vector_load_idx %arg6[%add3A_384] : memref<10000xi32, #tpu.memory_space<vmem>>[vector<16xi32>], vector<16xi32>,
      %shift_left3A_386 = arith.constant 2 : i32
      %shift_left3A_387 = vector.broadcast %shift_left3A_386 : i32 to vector<16xi32>
      %shift_left3A_388 = arith.shli %gather3A_385, %shift_left3A_387 : vector<16xi32>
      %or3A_389 = arith.ori %shift_left3A_388, %and3A_6 : vector<16xi32>
      %gather3A_390 = tpu.vector_load_idx %arg7[%or3A_389] : memref<40960xf32, #tpu.memory_space<vmem>>[vector<16xi32>], vector<16xf32>,
      %add3A_391 = arith.constant 2500 : i32
      %add3A_392 = arith.addi %add3A_391, %scan3A_378 : i32
      %mul3A_393 = arith.constant 6 : i32
      %mul3A_394 = arith.muli %add3A_392, %mul3A_393 : i32
      %get3A_395 = arith.index_cast %scan3A_378 : i32 to index
      %get3A_396 = arith.constant 0 : index
      %get3A_397 = tpu.vector_load %arg8[%get3A_395, %get3A_396] {strides = array<i32>} : memref<2500x16xf32, #tpu.memory_space<vmem>>, vector<16xf32>,
      %add3A_398 = arith.addf %get3A_397, %gather3A_390 : vector<16xf32>
      %swap3A_399 = arith.index_cast %mul3A_394 : i32 to index
      %swap3A_400 = tpu.vector_load %arg9[%swap3A_399] masked %lt3A_11 {strides = array<i32>} : memref<30016xf32, #tpu.memory_space<vmem>>, vector<16xf32>, vector<16xi1>
      tpu.vector_store %arg9[%swap3A_399], %add3A_398 masked %lt3A_11 {strides = array<i32>} : memref<30016xf32, #tpu.memory_space<vmem>>, vector<16xf32>, vector<16xi1>
    }
    %scan3A_113 = arith.constant 2496 : i32
    %scan3A_114 = arith.addi %scan3A_109, %scan3A_113 : i32
    %add3A_115 = arith.constant 2500 : i32
    %add3A_116 = arith.addi %add3A_115, %scan3A_114 : i32
    %mul3A_117 = arith.constant 2 : i32
    %mul3A_118 = arith.muli %add3A_116, %mul3A_117 : i32
    %add3A_119 = vector.broadcast %mul3A_118 : i32 to vector<16xi32>
    %add3A_120 = arith.addi %add3A_119, %shift_right_arithmetic3A_4 : vector<16xi32>
    %gather3A_121 = tpu.vector_load_idx %arg6[%add3A_120] : memref<10000xi32, #tpu.memory_space<vmem>>[vector<16xi32>], vector<16xi32>,
    %shift_left3A_122 = arith.constant 2 : i32
    %shift_left3A_123 = vector.broadcast %shift_left3A_122 : i32 to vector<16xi32>
    %shift_left3A_124 = arith.shli %gather3A_121, %shift_left3A_123 : vector<16xi32>
    %or3A_125 = arith.ori %shift_left3A_124, %and3A_6 : vector<16xi32>
    %gather3A_126 = tpu.vector_load_idx %arg7[%or3A_125] : memref<40960xf32, #tpu.memory_space<vmem>>[vector<16xi32>], vector<16xf32>,
    %add3A_127 = arith.constant 2500 : i32
    %add3A_128 = arith.addi %add3A_127, %scan3A_114 : i32
    %mul3A_129 = arith.constant 6 : i32
    %mul3A_130 = arith.muli %add3A_128, %mul3A_129 : i32
    %get3A_131 = arith.index_cast %scan3A_114 : i32 to index
    %get3A_132 = arith.constant 0 : index
    %get3A_133 = tpu.vector_load %arg8[%get3A_131, %get3A_132] {strides = array<i32>} : memref<2500x16xf32, #tpu.memory_space<vmem>>, vector<16xf32>,
    %add3A_134 = arith.addf %get3A_133, %gather3A_126 : vector<16xf32>
    %swap3A_135 = arith.index_cast %mul3A_130 : i32 to index
    %swap3A_136 = tpu.vector_load %arg9[%swap3A_135] masked %lt3A_11 {strides = array<i32>} : memref<30016xf32, #tpu.memory_space<vmem>>, vector<16xf32>, vector<16xi1>
    tpu.vector_store %arg9[%swap3A_135], %add3A_134 masked %lt3A_11 {strides = array<i32>} : memref<30016xf32, #tpu.memory_space<vmem>>, vector<16xf32>, vector<16xi1>
    %scan3A_137 = arith.constant 2497 : i32
    %scan3A_138 = arith.addi %scan3A_109, %scan3A_137 : i32
    %add3A_139 = arith.constant 2500 : i32
    %add3A_140 = arith.addi %add3A_139, %scan3A_138 : i32
    %mul3A_141 = arith.constant 2 : i32
    %mul3A_142 = arith.muli %add3A_140, %mul3A_141 : i32
    %add3A_143 = vector.broadcast %mul3A_142 : i32 to vector<16xi32>
    %add3A_144 = arith.addi %add3A_143, %shift_right_arithmetic3A_4 : vector<16xi32>
    %gather3A_145 = tpu.vector_load_idx %arg6[%add3A_144] : memref<10000xi32, #tpu.memory_space<vmem>>[vector<16xi32>], vector<16xi32>,
    %shift_left3A_146 = arith.constant 2 : i32
    %shift_left3A_147 = vector.broadcast %shift_left3A_146 : i32 to vector<16xi32>
    %shift_left3A_148 = arith.shli %gather3A_145, %shift_left3A_147 : vector<16xi32>
    %or3A_149 = arith.ori %shift_left3A_148, %and3A_6 : vector<16xi32>
    %gather3A_150 = tpu.vector_load_idx %arg7[%or3A_149] : memref<40960xf32, #tpu.memory_space<vmem>>[vector<16xi32>], vector<16xf32>,
    %add3A_151 = arith.constant 2500 : i32
    %add3A_152 = arith.addi %add3A_151, %scan3A_138 : i32
    %mul3A_153 = arith.constant 6 : i32
    %mul3A_154 = arith.muli %add3A_152, %mul3A_153 : i32
    %get3A_155 = arith.index_cast %scan3A_138 : i32 to index
    %get3A_156 = arith.constant 0 : index
    %get3A_157 = tpu.vector_load %arg8[%get3A_155, %get3A_156] {strides = array<i32>} : memref<2500x16xf32, #tpu.memory_space<vmem>>, vector<16xf32>,
    %add3A_158 = arith.addf %get3A_157, %gather3A_150 : vector<16xf32>
    %swap3A_159 = arith.index_cast %mul3A_154 : i32 to index
    %swap3A_160 = tpu.vector_load %arg9[%swap3A_159] masked %lt3A_11 {strides = array<i32>} : memref<30016xf32, #tpu.memory_space<vmem>>, vector<16xf32>, vector<16xi1>
    tpu.vector_store %arg9[%swap3A_159], %add3A_158 masked %lt3A_11 {strides = array<i32>} : memref<30016xf32, #tpu.memory_space<vmem>>, vector<16xf32>, vector<16xi1>
    %scan3A_161 = arith.constant 2498 : i32
    %scan3A_162 = arith.addi %scan3A_109, %scan3A_161 : i32
    %add3A_163 = arith.constant 2500 : i32
    %add3A_164 = arith.addi %add3A_163, %scan3A_162 : i32
    %mul3A_165 = arith.constant 2 : i32
    %mul3A_166 = arith.muli %add3A_164, %mul3A_165 : i32
    %add3A_167 = vector.broadcast %mul3A_166 : i32 to vector<16xi32>
    %add3A_168 = arith.addi %add3A_167, %shift_right_arithmetic3A_4 : vector<16xi32>
    %gather3A_169 = tpu.vector_load_idx %arg6[%add3A_168] : memref<10000xi32, #tpu.memory_space<vmem>>[vector<16xi32>], vector<16xi32>,
    %shift_left3A_170 = arith.constant 2 : i32
    %shift_left3A_171 = vector.broadcast %shift_left3A_170 : i32 to vector<16xi32>
    %shift_left3A_172 = arith.shli %gather3A_169, %shift_left3A_171 : vector<16xi32>
    %or3A_173 = arith.ori %shift_left3A_172, %and3A_6 : vector<16xi32>
    %gather3A_174 = tpu.vector_load_idx %arg7[%or3A_173] : memref<40960xf32, #tpu.memory_space<vmem>>[vector<16xi32>], vector<16xf32>,
    %add3A_175 = arith.constant 2500 : i32
    %add3A_176 = arith.addi %add3A_175, %scan3A_162 : i32
    %mul3A_177 = arith.constant 6 : i32
    %mul3A_178 = arith.muli %add3A_176, %mul3A_177 : i32
    %get3A_179 = arith.index_cast %scan3A_162 : i32 to index
    %get3A_180 = arith.constant 0 : index
    %get3A_181 = tpu.vector_load %arg8[%get3A_179, %get3A_180] {strides = array<i32>} : memref<2500x16xf32, #tpu.memory_space<vmem>>, vector<16xf32>,
    %add3A_182 = arith.addf %get3A_181, %gather3A_174 : vector<16xf32>
    %swap3A_183 = arith.index_cast %mul3A_178 : i32 to index
    %swap3A_184 = tpu.vector_load %arg9[%swap3A_183] masked %lt3A_11 {strides = array<i32>} : memref<30016xf32, #tpu.memory_space<vmem>>, vector<16xf32>, vector<16xi1>
    tpu.vector_store %arg9[%swap3A_183], %add3A_182 masked %lt3A_11 {strides = array<i32>} : memref<30016xf32, #tpu.memory_space<vmem>>, vector<16xf32>, vector<16xi1>
    %scan3A_185 = arith.constant 2499 : i32
    %scan3A_186 = arith.addi %scan3A_109, %scan3A_185 : i32
    %add3A_187 = arith.constant 2500 : i32
    %add3A_188 = arith.addi %add3A_187, %scan3A_186 : i32
    %mul3A_189 = arith.constant 2 : i32
    %mul3A_190 = arith.muli %add3A_188, %mul3A_189 : i32
    %add3A_191 = vector.broadcast %mul3A_190 : i32 to vector<16xi32>
    %add3A_192 = arith.addi %add3A_191, %shift_right_arithmetic3A_4 : vector<16xi32>
    %gather3A_193 = tpu.vector_load_idx %arg6[%add3A_192] : memref<10000xi32, #tpu.memory_space<vmem>>[vector<16xi32>], vector<16xi32>,
    %shift_left3A_194 = arith.constant 2 : i32
    %shift_left3A_195 = vector.broadcast %shift_left3A_194 : i32 to vector<16xi32>
    %shift_left3A_196 = arith.shli %gather3A_193, %shift_left3A_195 : vector<16xi32>
    %or3A_197 = arith.ori %shift_left3A_196, %and3A_6 : vector<16xi32>
    %gather3A_198 = tpu.vector_load_idx %arg7[%or3A_197] : memref<40960xf32, #tpu.memory_space<vmem>>[vector<16xi32>], vector<16xf32>,
    %add3A_199 = arith.constant 2500 : i32
    %add3A_200 = arith.addi %add3A_199, %scan3A_186 : i32
    %mul3A_201 = arith.constant 6 : i32
    %mul3A_202 = arith.muli %add3A_200, %mul3A_201 : i32
    %get3A_203 = arith.index_cast %scan3A_186 : i32 to index
    %get3A_204 = arith.constant 0 : index
    %get3A_205 = tpu.vector_load %arg8[%get3A_203, %get3A_204] {strides = array<i32>} : memref<2500x16xf32, #tpu.memory_space<vmem>>, vector<16xf32>,
    %add3A_206 = arith.addf %get3A_205, %gather3A_198 : vector<16xf32>
    %swap3A_207 = arith.index_cast %mul3A_202 : i32 to index
    %swap3A_208 = tpu.vector_load %arg9[%swap3A_207] masked %lt3A_11 {strides = array<i32>} : memref<30016xf32, #tpu.memory_space<vmem>>, vector<16xf32>, vector<16xi1>
    tpu.vector_store %arg9[%swap3A_207], %add3A_206 masked %lt3A_11 {strides = array<i32>} : memref<30016xf32, #tpu.memory_space<vmem>>, vector<16xf32>, vector<16xi1>
    %scan3A_209 = arith.constant 2500 : i32
    "tpu.region"() ({
      %run_scoped3A = tpu.sem_alloc : memref<!tpu.dma_semaphore, #tpu.memory_space<semaphore_mem>>
      %dma_start3A = arith.constant 0 : i32
      %dma_start3A_210 = tpu.memref_slice %arg9[%dma_start3A] : memref<30016xf32, #tpu.memory_space<vmem>> -> memref<30000xf32, #tpu.memory_space<vmem>>
      %dma_start3A_211 = arith.constant 0 : i32
      %dma_start3A_212 = tpu.memref_slice %arg5[%add3A, %dma_start3A_211] : memref<32x30000xf32, #tpu.memory_space<hbm>> -> memref<1x30000xf32, #tpu.memory_space<hbm>>
      %dma_start3A_213 = tpu.memref_squeeze %dma_start3A_212 : memref<1x30000xf32, #tpu.memory_space<hbm>> -> memref<30000xf32, #tpu.memory_space<hbm>>
      %dma_start3A_214 = arith.constant 0 : i32
      %dma_start3A_215 = tpu.memref_slice %arg5[%add3A, %dma_start3A_214] : memref<32x30000xf32, #tpu.memory_space<hbm>> -> memref<1x30000xf32, #tpu.memory_space<hbm>>
      %dma_start3A_216 = tpu.memref_squeeze %dma_start3A_215 : memref<1x30000xf32, #tpu.memory_space<hbm>> -> memref<30000xf32, #tpu.memory_space<hbm>>
      %dma_start3A_217 = arith.constant 0 : i32
      %dma_start3A_218 = tpu.memref_slice %arg9[%dma_start3A_217] : memref<30016xf32, #tpu.memory_space<vmem>> -> memref<30000xf32, #tpu.memory_space<vmem>>
      tpu.enqueue_dma source(%dma_start3A_218 : memref<30000xf32, #tpu.memory_space<vmem>>) target(%dma_start3A_216 : memref<30000xf32, #tpu.memory_space<hbm>>) target_semaphore(%run_scoped3A : memref<!tpu.dma_semaphore, #tpu.memory_space<semaphore_mem>>)
      %dma_wait3A = arith.constant 0 : i32
      %dma_wait3A_219 = tpu.memref_slice %arg9[%dma_wait3A] : memref<30016xf32, #tpu.memory_space<vmem>> -> memref<30000xf32, #tpu.memory_space<vmem>>
      %dma_wait3A_220 = arith.constant 0 : i32
      %dma_wait3A_221 = tpu.memref_slice %arg5[%add3A, %dma_wait3A_220] : memref<32x30000xf32, #tpu.memory_space<hbm>> -> memref<1x30000xf32, #tpu.memory_space<hbm>>
      %dma_wait3A_222 = tpu.memref_squeeze %dma_wait3A_221 : memref<1x30000xf32, #tpu.memory_space<hbm>> -> memref<30000xf32, #tpu.memory_space<hbm>>
      %dma_wait3A_223 = arith.constant 0 : i32
      %dma_wait3A_224 = tpu.memref_slice %arg5[%add3A, %dma_wait3A_223] : memref<32x30000xf32, #tpu.memory_space<hbm>> -> memref<1x30000xf32, #tpu.memory_space<hbm>>
      %dma_wait3A_225 = tpu.memref_squeeze %dma_wait3A_224 : memref<1x30000xf32, #tpu.memory_space<hbm>> -> memref<30000xf32, #tpu.memory_space<hbm>>
      %dma_wait3A_226 = arith.constant 0 : i32
      %dma_wait3A_227 = tpu.memref_slice %arg9[%dma_wait3A_226] : memref<30016xf32, #tpu.memory_space<vmem>> -> memref<30000xf32, #tpu.memory_space<vmem>>
      tpu.wait_dma2 semaphore(%run_scoped3A : memref<!tpu.dma_semaphore, #tpu.memory_space<semaphore_mem>>) src(%dma_wait3A_227 : memref<30000xf32, #tpu.memory_space<vmem>>) dst(%dma_wait3A_225 : memref<30000xf32, #tpu.memory_space<hbm>>)
      tpu.yield
    }) : () -> ()
    return
  }
}

#map = affine_map<(d0, d1) -> (0, 0, 0)>
#map1 = affine_map<(d0, d1) -> (0, 0)>
module attributes {stable_mosaic.version = 14 : i64} {
  func.func @_scatter_body(%arg0: i32, %arg1: i32, %arg2: memref<32x80x125xi32, #tpu.memory_space<hbm>>, %arg3: memref<320000x8xf32, #tpu.memory_space<hbm>>, %arg4: memref<10240x8xf32, #tpu.memory_space<hbm>>, %arg5: memref<2x10240x8xf32, #tpu.memory_space<hbm>>, %arg6: memref<80x125xi32, #tpu.memory_space<vmem>>, %arg7: memref<10000x8xf32, #tpu.memory_space<vmem>>, %arg8: memref<10240x8xf32, #tpu.memory_space<vmem_shared>>) attributes {dimension_semantics = [#tpu.dimension_semantics<core_parallel>, #tpu.dimension_semantics<subcore_parallel>], iteration_bounds = array<i64: 2, 16>, scalar_prefetch = 0 : i64, scratch_operands = 3 : i64, tpu.core_type = #tpu.core_type<sc_vector_subcore>, window_params = [{transform_indices = #map}, {transform_indices = #map1}, {transform_indices = #map1}, {transform_indices = #map}]} {
    %mul3A = arith.constant 2 : i32
    %mul3A_0 = arith.muli %arg1, %mul3A : i32
    %add3A = arith.addi %mul3A_0, %arg0 : i32
    %mul3A_1 = arith.constant 640 : i32
    %mul3A_2 = arith.muli %arg1, %mul3A_1 : i32
    "tpu.region"() ({
      %run_scoped3A = tpu.sem_alloc : memref<!tpu.dma_semaphore, #tpu.memory_space<semaphore_mem>>
      %dma_start3A = arith.constant 0 : i32
      %dma_start3A_11 = tpu.memref_slice %arg8[%mul3A_2, %dma_start3A] : memref<10240x8xf32, #tpu.memory_space<vmem_shared>> -> memref<640x8xf32, #tpu.memory_space<vmem_shared>>
      %dma_start3A_12 = arith.constant 0 : i32
      %dma_start3A_13 = tpu.memref_slice %arg4[%mul3A_2, %dma_start3A_12] : memref<10240x8xf32, #tpu.memory_space<hbm>> -> memref<640x8xf32, #tpu.memory_space<hbm>>
      tpu.enqueue_dma source(%dma_start3A_13 : memref<640x8xf32, #tpu.memory_space<hbm>>) target(%dma_start3A_11 : memref<640x8xf32, #tpu.memory_space<vmem_shared>>) target_semaphore(%run_scoped3A : memref<!tpu.dma_semaphore, #tpu.memory_space<semaphore_mem>>)
      %dma_wait3A = arith.constant 0 : i32
      %dma_wait3A_14 = tpu.memref_slice %arg8[%mul3A_2, %dma_wait3A] : memref<10240x8xf32, #tpu.memory_space<vmem_shared>> -> memref<640x8xf32, #tpu.memory_space<vmem_shared>>
      %dma_wait3A_15 = arith.constant 0 : i32
      %dma_wait3A_16 = tpu.memref_slice %arg4[%mul3A_2, %dma_wait3A_15] : memref<10240x8xf32, #tpu.memory_space<hbm>> -> memref<640x8xf32, #tpu.memory_space<hbm>>
      tpu.wait_dma2 semaphore(%run_scoped3A : memref<!tpu.dma_semaphore, #tpu.memory_space<semaphore_mem>>) src(%dma_wait3A_16 : memref<640x8xf32, #tpu.memory_space<hbm>>) dst(%dma_wait3A_14 : memref<640x8xf32, #tpu.memory_space<vmem_shared>>)
      tpu.yield
    }) : () -> ()
    "tpu.region"() ({
      %run_scoped3A = tpu.sem_alloc : memref<!tpu.dma_semaphore, #tpu.memory_space<semaphore_mem>>
      %dma_start3A = arith.constant 0 : i32
      %dma_start3A_11 = arith.constant 0 : i32
      %dma_start3A_12 = tpu.memref_slice %arg2[%add3A, %dma_start3A, %dma_start3A_11] : memref<32x80x125xi32, #tpu.memory_space<hbm>> -> memref<1x80x125xi32, #tpu.memory_space<hbm>>
      %dma_start3A_13 = tpu.memref_squeeze %dma_start3A_12 : memref<1x80x125xi32, #tpu.memory_space<hbm>> -> memref<80x125xi32, #tpu.memory_space<hbm>>
      %dma_start3A_14 = arith.constant 0 : i32
      %dma_start3A_15 = arith.constant 0 : i32
      %dma_start3A_16 = tpu.memref_slice %arg2[%add3A, %dma_start3A_14, %dma_start3A_15] : memref<32x80x125xi32, #tpu.memory_space<hbm>> -> memref<1x80x125xi32, #tpu.memory_space<hbm>>
      %dma_start3A_17 = tpu.memref_squeeze %dma_start3A_16 : memref<1x80x125xi32, #tpu.memory_space<hbm>> -> memref<80x125xi32, #tpu.memory_space<hbm>>
      tpu.enqueue_dma source(%dma_start3A_17 : memref<80x125xi32, #tpu.memory_space<hbm>>) target(%arg6 : memref<80x125xi32, #tpu.memory_space<vmem>>) target_semaphore(%run_scoped3A : memref<!tpu.dma_semaphore, #tpu.memory_space<semaphore_mem>>)
      %dma_wait3A = arith.constant 0 : i32
      %dma_wait3A_18 = arith.constant 0 : i32
      %dma_wait3A_19 = tpu.memref_slice %arg2[%add3A, %dma_wait3A, %dma_wait3A_18] : memref<32x80x125xi32, #tpu.memory_space<hbm>> -> memref<1x80x125xi32, #tpu.memory_space<hbm>>
      %dma_wait3A_20 = tpu.memref_squeeze %dma_wait3A_19 : memref<1x80x125xi32, #tpu.memory_space<hbm>> -> memref<80x125xi32, #tpu.memory_space<hbm>>
      %dma_wait3A_21 = arith.constant 0 : i32
      %dma_wait3A_22 = arith.constant 0 : i32
      %dma_wait3A_23 = tpu.memref_slice %arg2[%add3A, %dma_wait3A_21, %dma_wait3A_22] : memref<32x80x125xi32, #tpu.memory_space<hbm>> -> memref<1x80x125xi32, #tpu.memory_space<hbm>>
      %dma_wait3A_24 = tpu.memref_squeeze %dma_wait3A_23 : memref<1x80x125xi32, #tpu.memory_space<hbm>> -> memref<80x125xi32, #tpu.memory_space<hbm>>
      tpu.wait_dma2 semaphore(%run_scoped3A : memref<!tpu.dma_semaphore, #tpu.memory_space<semaphore_mem>>) src(%dma_wait3A_24 : memref<80x125xi32, #tpu.memory_space<hbm>>) dst(%arg6 : memref<80x125xi32, #tpu.memory_space<vmem>>)
      tpu.yield
    }) : () -> ()
    %mul3A_3 = arith.constant 10000 : i32
    %mul3A_4 = arith.muli %add3A, %mul3A_3 : i32
    "tpu.region"() ({
      %run_scoped3A = tpu.sem_alloc : memref<!tpu.dma_semaphore, #tpu.memory_space<semaphore_mem>>
      %dma_start3A = arith.constant 0 : i32
      %dma_start3A_11 = tpu.memref_slice %arg3[%mul3A_4, %dma_start3A] : memref<320000x8xf32, #tpu.memory_space<hbm>> -> memref<10000x8xf32, #tpu.memory_space<hbm>>
      %dma_start3A_12 = arith.constant 0 : i32
      %dma_start3A_13 = tpu.memref_slice %arg3[%mul3A_4, %dma_start3A_12] : memref<320000x8xf32, #tpu.memory_space<hbm>> -> memref<10000x8xf32, #tpu.memory_space<hbm>>
      tpu.enqueue_dma source(%dma_start3A_13 : memref<10000x8xf32, #tpu.memory_space<hbm>>) target(%arg7 : memref<10000x8xf32, #tpu.memory_space<vmem>>) target_semaphore(%run_scoped3A : memref<!tpu.dma_semaphore, #tpu.memory_space<semaphore_mem>>)
      %dma_wait3A = arith.constant 0 : i32
      %dma_wait3A_14 = tpu.memref_slice %arg3[%mul3A_4, %dma_wait3A] : memref<320000x8xf32, #tpu.memory_space<hbm>> -> memref<10000x8xf32, #tpu.memory_space<hbm>>
      %dma_wait3A_15 = arith.constant 0 : i32
      %dma_wait3A_16 = tpu.memref_slice %arg3[%mul3A_4, %dma_wait3A_15] : memref<320000x8xf32, #tpu.memory_space<hbm>> -> memref<10000x8xf32, #tpu.memory_space<hbm>>
      tpu.wait_dma2 semaphore(%run_scoped3A : memref<!tpu.dma_semaphore, #tpu.memory_space<semaphore_mem>>) src(%dma_wait3A_16 : memref<10000x8xf32, #tpu.memory_space<hbm>>) dst(%arg7 : memref<10000x8xf32, #tpu.memory_space<vmem>>)
      tpu.yield
    }) : () -> ()
    %barrier3A = arith.constant 0 : index
    tpu.barrier barrier_id(%barrier3A)
    %scan3A = arith.constant 0 : i32
    %scan3A_5 = arith.constant 0 : i32
    %scan3A_6 = arith.constant 80 : i32
    %scan3A_7 = arith.addi %scan3A_5, %scan3A_6 : i32
    %scan3A_8 = arith.constant 1 : i32
    scf.for %scan3A_11 = %scan3A_5 to %scan3A_7 step %scan3A_8  : i32 {
      %mul3A_12 = arith.constant 125 : i32
      %mul3A_13 = arith.muli %scan3A_11, %mul3A_12 : i32
      "tpu.region"() ({
        %run_scoped3A = tpu.sem_alloc : memref<!tpu.dma_semaphore, #tpu.memory_space<semaphore_mem>>
        %dma_start3A = arith.constant 0 : i32
        %dma_start3A_14 = tpu.memref_slice %arg7[%mul3A_13, %dma_start3A] : memref<10000x8xf32, #tpu.memory_space<vmem>> -> memref<125x8xf32, #tpu.memory_space<vmem>>
        %dma_start3A_15 = arith.constant 0 : i32
        %dma_start3A_16 = tpu.memref_slice %arg6[%scan3A_11, %dma_start3A_15] : memref<80x125xi32, #tpu.memory_space<vmem>> -> memref<1x125xi32, #tpu.memory_space<vmem>>
        %dma_start3A_17 = tpu.memref_squeeze %dma_start3A_16 : memref<1x125xi32, #tpu.memory_space<vmem>> -> memref<125xi32, #tpu.memory_space<vmem>>
        %dma_start3A_18 = arith.constant 0 : i32
        %dma_start3A_19 = arith.constant 0 : i32
        %dma_start3A_20 = tpu.memref_slice %arg8[%dma_start3A_18, %dma_start3A_19] : memref<10240x8xf32, #tpu.memory_space<vmem_shared>> -> memref<10240x8xf32, #tpu.memory_space<vmem_shared>>
        tpu.enqueue_indirect_dma source(%dma_start3A_14 : memref<125x8xf32, #tpu.memory_space<vmem>>) target(%dma_start3A_20 : memref<10240x8xf32, #tpu.memory_space<vmem_shared>>) offsets(%dma_start3A_17 : memref<125xi32, #tpu.memory_space<vmem>>) semaphore(%run_scoped3A : memref<!tpu.dma_semaphore, #tpu.memory_space<semaphore_mem>>) {add = true}
        %dma_wait3A = arith.constant 0 : i32
        %dma_wait3A_21 = tpu.memref_slice %arg7[%mul3A_13, %dma_wait3A] : memref<10000x8xf32, #tpu.memory_space<vmem>> -> memref<125x8xf32, #tpu.memory_space<vmem>>
        %dma_wait3A_22 = arith.constant 0 : i32
        %dma_wait3A_23 = tpu.memref_slice %arg6[%scan3A_11, %dma_wait3A_22] : memref<80x125xi32, #tpu.memory_space<vmem>> -> memref<1x125xi32, #tpu.memory_space<vmem>>
        %dma_wait3A_24 = tpu.memref_squeeze %dma_wait3A_23 : memref<1x125xi32, #tpu.memory_space<vmem>> -> memref<125xi32, #tpu.memory_space<vmem>>
        %dma_wait3A_25 = arith.constant 0 : i32
        %dma_wait3A_26 = arith.constant 0 : i32
        %dma_wait3A_27 = tpu.memref_slice %arg8[%dma_wait3A_25, %dma_wait3A_26] : memref<10240x8xf32, #tpu.memory_space<vmem_shared>> -> memref<10240x8xf32, #tpu.memory_space<vmem_shared>>
        tpu.wait_indirect_dma semaphore(%run_scoped3A : memref<!tpu.dma_semaphore, #tpu.memory_space<semaphore_mem>>) src(%dma_wait3A_21 : memref<125x8xf32, #tpu.memory_space<vmem>>) dst(%dma_wait3A_27 : memref<10240x8xf32, #tpu.memory_space<vmem_shared>>)
        tpu.yield
      }) : () -> ()
    }
    %scan3A_9 = arith.constant 80 : i32
    %barrier3A_10 = arith.constant 0 : index
    tpu.barrier barrier_id(%barrier3A_10)
    "tpu.region"() ({
      %run_scoped3A = tpu.sem_alloc : memref<!tpu.dma_semaphore, #tpu.memory_space<semaphore_mem>>
      %dma_start3A = arith.constant 0 : i32
      %dma_start3A_11 = tpu.memref_slice %arg5[%arg0, %mul3A_2, %dma_start3A] : memref<2x10240x8xf32, #tpu.memory_space<hbm>> -> memref<1x640x8xf32, #tpu.memory_space<hbm>>
      %dma_start3A_12 = tpu.memref_squeeze %dma_start3A_11 : memref<1x640x8xf32, #tpu.memory_space<hbm>> -> memref<640x8xf32, #tpu.memory_space<hbm>>
      %dma_start3A_13 = arith.constant 0 : i32
      %dma_start3A_14 = tpu.memref_slice %arg8[%mul3A_2, %dma_start3A_13] : memref<10240x8xf32, #tpu.memory_space<vmem_shared>> -> memref<640x8xf32, #tpu.memory_space<vmem_shared>>
      tpu.enqueue_dma source(%dma_start3A_14 : memref<640x8xf32, #tpu.memory_space<vmem_shared>>) target(%dma_start3A_12 : memref<640x8xf32, #tpu.memory_space<hbm>>) target_semaphore(%run_scoped3A : memref<!tpu.dma_semaphore, #tpu.memory_space<semaphore_mem>>)
      %dma_wait3A = arith.constant 0 : i32
      %dma_wait3A_15 = tpu.memref_slice %arg5[%arg0, %mul3A_2, %dma_wait3A] : memref<2x10240x8xf32, #tpu.memory_space<hbm>> -> memref<1x640x8xf32, #tpu.memory_space<hbm>>
      %dma_wait3A_16 = tpu.memref_squeeze %dma_wait3A_15 : memref<1x640x8xf32, #tpu.memory_space<hbm>> -> memref<640x8xf32, #tpu.memory_space<hbm>>
      %dma_wait3A_17 = arith.constant 0 : i32
      %dma_wait3A_18 = tpu.memref_slice %arg8[%mul3A_2, %dma_wait3A_17] : memref<10240x8xf32, #tpu.memory_space<vmem_shared>> -> memref<640x8xf32, #tpu.memory_space<vmem_shared>>
      tpu.wait_dma2 semaphore(%run_scoped3A : memref<!tpu.dma_semaphore, #tpu.memory_space<semaphore_mem>>) src(%dma_wait3A_18 : memref<640x8xf32, #tpu.memory_space<vmem_shared>>) dst(%dma_wait3A_16 : memref<640x8xf32, #tpu.memory_space<hbm>>)
      tpu.yield
    }) : () -> ()
    return
  }
}

module attributes {stable_mosaic.version = 14 : i64} {
  func.func @_mlp_body(%arg0: i32, %arg1: memref<10000x128xf32, #tpu.memory_space<vmem>>, %arg2: memref<128x128xf32, #tpu.memory_space<vmem>>, %arg3: memref<1x128xf32, #tpu.memory_space<vmem>>, %arg4: memref<128x8xf32, #tpu.memory_space<vmem>>, %arg5: memref<1x8xf32, #tpu.memory_space<vmem>>, %arg6: memref<10000x8xf32, #tpu.memory_space<vmem>>) attributes {dimension_semantics = [#tpu.dimension_semantics<arbitrary>], iteration_bounds = array<i64: 32>, scalar_prefetch = 0 : i64, scratch_operands = 0 : i64, tpu.core_type = #tpu.core_type<tc>, window_params = [{transform_indices = @transform_0, window_bounds = array<i64: 10000, 128>}, {pipeline_mode = #tpu.pipeline_mode<synchronous>, transform_indices = @transform_1, window_bounds = array<i64: 128, 128>}, {pipeline_mode = #tpu.pipeline_mode<synchronous>, transform_indices = @transform_2, window_bounds = array<i64: 1, 128>}, {pipeline_mode = #tpu.pipeline_mode<synchronous>, transform_indices = @transform_3, window_bounds = array<i64: 128, 8>}, {pipeline_mode = #tpu.pipeline_mode<synchronous>, transform_indices = @transform_4, window_bounds = array<i64: 1, 8>}, {transform_indices = @transform_5, window_bounds = array<i64: 10000, 8>}]} {
    %get3A = arith.constant 0 : index
    %get3A_0 = arith.constant 0 : index
    %get3A_1 = vector.load %arg1[%get3A, %get3A_0] : memref<10000x128xf32, #tpu.memory_space<vmem>>, vector<10000x128xf32>
    %get3A_2 = arith.constant 0 : index
    %get3A_3 = arith.constant 0 : index
    %get3A_4 = vector.load %arg2[%get3A_2, %get3A_3] : memref<128x128xf32, #tpu.memory_space<vmem>>, vector<128x128xf32>
    %dot_general3A = arith.constant dense<0.000000e+00> : vector<10000x128xf32>
    %dot_general3A_5 = tpu.matmul %get3A_1, %get3A_4, %dot_general3A {dimension_numbers = #tpu.dot_dimension_numbers<[1], [0], [0], [1], [0, 0, 1, 1], [], []>, transpose_lhs_hint = false} : vector<10000x128xf32>, vector<128x128xf32>, vector<10000x128xf32> -> vector<10000x128xf32>
    %get3A_6 = arith.constant 0 : index
    %get3A_7 = arith.constant 0 : index
    %get3A_8 = vector.load %arg3[%get3A_6, %get3A_7] : memref<1x128xf32, #tpu.memory_space<vmem>>, vector<1x128xf32>
    %add3A = vector.broadcast %get3A_8 : vector<1x128xf32> to vector<10000x128xf32>
    %add3A_9 = arith.addf %dot_general3A_5, %add3A : vector<10000x128xf32>
    %mul3A = arith.constant 5.000000e-01 : f32
    %mul3A_10 = vector.broadcast %mul3A : f32 to vector<10000x128xf32>
    %mul3A_11 = arith.mulf %mul3A_10, %add3A_9 : vector<10000x128xf32>
    %mul3A_12 = arith.constant 0.707106769 : f32
    %mul3A_13 = vector.broadcast %mul3A_12 : f32 to vector<10000x128xf32>
    %mul3A_14 = arith.mulf %add3A_9, %mul3A_13 : vector<10000x128xf32>
    %erf3A = math.erf %mul3A_14 : vector<10000x128xf32>
    %add3A_15 = arith.constant 1.000000e+00 : f32
    %add3A_16 = vector.broadcast %add3A_15 : f32 to vector<10000x128xf32>
    %add3A_17 = arith.addf %add3A_16, %erf3A : vector<10000x128xf32>
    %mul3A_18 = arith.mulf %mul3A_11, %add3A_17 : vector<10000x128xf32>
    %get3A_19 = arith.constant 0 : index
    %get3A_20 = arith.constant 0 : index
    %get3A_21 = vector.load %arg4[%get3A_19, %get3A_20] : memref<128x8xf32, #tpu.memory_space<vmem>>, vector<128x8xf32>
    %dot_general3A_22 = arith.constant dense<0.000000e+00> : vector<10000x8xf32>
    %dot_general3A_23 = tpu.matmul %mul3A_18, %get3A_21, %dot_general3A_22 {dimension_numbers = #tpu.dot_dimension_numbers<[1], [0], [0], [1], [0, 0, 1, 1], [], []>, transpose_lhs_hint = false} : vector<10000x128xf32>, vector<128x8xf32>, vector<10000x8xf32> -> vector<10000x8xf32>
    %get3A_24 = arith.constant 0 : index
    %get3A_25 = arith.constant 0 : index
    %get3A_26 = vector.load %arg5[%get3A_24, %get3A_25] : memref<1x8xf32, #tpu.memory_space<vmem>>, vector<1x8xf32>
    %add3A_27 = vector.broadcast %get3A_26 : vector<1x8xf32> to vector<10000x8xf32>
    %add3A_28 = arith.addf %dot_general3A_23, %add3A_27 : vector<10000x8xf32>
    %swap3A = arith.constant 0 : index
    %swap3A_29 = arith.constant 0 : index
    %swap3A_30 = vector.load %arg6[%swap3A, %swap3A_29] : memref<10000x8xf32, #tpu.memory_space<vmem>>, vector<10000x8xf32>
    tpu.vector_store %arg6[%swap3A, %swap3A_29], %add3A_28 {strides = array<i32>} : memref<10000x8xf32, #tpu.memory_space<vmem>>, vector<10000x8xf32>,
    return
  }
  func.func @transform_0(%arg0: i32) -> (i32, i32) {
    %c0_i32 = arith.constant 0 : i32
    %c0_i32_0 = arith.constant 0 : i32
    return %arg0, %c0_i32 : i32, i32
  }
  func.func @transform_1(%arg0: i32) -> (i32, i32) {
    %c0_i32 = arith.constant 0 : i32
    %c0_i32_0 = arith.constant 0 : i32
    %c0_i32_1 = arith.constant 0 : i32
    return %c0_i32, %c0_i32_0 : i32, i32
  }
  func.func @transform_2(%arg0: i32) -> (i32, i32) {
    %c0_i32 = arith.constant 0 : i32
    %c0_i32_0 = arith.constant 0 : i32
    %c0_i32_1 = arith.constant 0 : i32
    return %c0_i32, %c0_i32_0 : i32, i32
  }
  func.func @transform_3(%arg0: i32) -> (i32, i32) {
    %c0_i32 = arith.constant 0 : i32
    %c0_i32_0 = arith.constant 0 : i32
    %c0_i32_1 = arith.constant 0 : i32
    return %c0_i32, %c0_i32_0 : i32, i32
  }
  func.func @transform_4(%arg0: i32) -> (i32, i32) {
    %c0_i32 = arith.constant 0 : i32
    %c0_i32_0 = arith.constant 0 : i32
    %c0_i32_1 = arith.constant 0 : i32
    return %c0_i32, %c0_i32_0 : i32, i32
  }
  func.func @transform_5(%arg0: i32) -> (i32, i32) {
    %c0_i32 = arith.constant 0 : i32
    %c0_i32_0 = arith.constant 0 : i32
    return %arg0, %c0_i32 : i32, i32
  }
}

module attributes {stable_mosaic.version = 14 : i64} {
  func.func @_mean_body(%arg0: i32, %arg1: memref<2x10240x8xf32, #tpu.memory_space<vmem>>, %arg2: memref<10240x4xf32, #tpu.memory_space<vmem>>) attributes {dimension_semantics = [#tpu.dimension_semantics<arbitrary>], iteration_bounds = array<i64: 1>, scalar_prefetch = 0 : i64, scratch_operands = 0 : i64, tpu.core_type = #tpu.core_type<tc>, window_params = [{pipeline_mode = #tpu.pipeline_mode<synchronous>, transform_indices = @transform_0, window_bounds = array<i64: 2, 10240, 8>}, {pipeline_mode = #tpu.pipeline_mode<synchronous>, transform_indices = @transform_1, window_bounds = array<i64: 10240, 4>}]} {
    %get3A = arith.constant 0 : index
    %get3A_0 = arith.constant 0 : index
    %get3A_1 = arith.constant 0 : index
    %get3A_2 = vector.load %arg1[%get3A, %get3A_0, %get3A_1] : memref<2x10240x8xf32, #tpu.memory_space<vmem>>, vector<1x10240x4xf32>
    %get3A_3 = vector.shape_cast %get3A_2 : vector<1x10240x4xf32> to vector<10240x4xf32>
    %get3A_4 = arith.constant 1 : index
    %get3A_5 = arith.constant 0 : index
    %get3A_6 = arith.constant 0 : index
    %get3A_7 = vector.load %arg1[%get3A_4, %get3A_5, %get3A_6] : memref<2x10240x8xf32, #tpu.memory_space<vmem>>, vector<1x10240x4xf32>
    %get3A_8 = vector.shape_cast %get3A_7 : vector<1x10240x4xf32> to vector<10240x4xf32>
    %add3A = arith.addf %get3A_3, %get3A_8 : vector<10240x4xf32>
    %neg3A = arith.constant 0.000000e+00 : f32
    %neg3A_9 = vector.broadcast %neg3A : f32 to vector<10240x4xf32>
    %neg3A_10 = arith.subf %neg3A_9, %add3A : vector<10240x4xf32>
    %slice3A = vector.extract_strided_slice %add3A {offsets = [0, 3], sizes = [10240, 1], strides = [1, 1]} : vector<10240x4xf32> to vector<10240x1xf32>
    %max3A = arith.constant 1.000000e+00 : f32
    %max3A_11 = vector.broadcast %max3A : f32 to vector<10240x1xf32>
    %max3A_12 = arith.maximumf %slice3A, %max3A_11 : vector<10240x1xf32>
    %div3A = vector.broadcast %max3A_12 : vector<10240x1xf32> to vector<10240x4xf32>
    %div3A_13 = arith.divf %neg3A_10, %div3A : vector<10240x4xf32>
    %swap3A = arith.constant 0 : index
    %swap3A_14 = arith.constant 0 : index
    %swap3A_15 = vector.load %arg2[%swap3A, %swap3A_14] : memref<10240x4xf32, #tpu.memory_space<vmem>>, vector<10240x4xf32>
    tpu.vector_store %arg2[%swap3A, %swap3A_14], %div3A_13 {strides = array<i32>} : memref<10240x4xf32, #tpu.memory_space<vmem>>, vector<10240x4xf32>,
    return
  }
  func.func @transform_0(%arg0: i32) -> (i32, i32, i32) {
    %c0_i32 = arith.constant 0 : i32
    %c0_i32_0 = arith.constant 0 : i32
    %c0_i32_1 = arith.constant 0 : i32
    %c0_i32_2 = arith.constant 0 : i32
    return %c0_i32, %c0_i32_0, %c0_i32_1 : i32, i32, i32
  }
  func.func @transform_1(%arg0: i32) -> (i32, i32) {
    %c0_i32 = arith.constant 0 : i32
    %c0_i32_0 = arith.constant 0 : i32
    %c0_i32_1 = arith.constant 0 : i32
    return %c0_i32, %c0_i32_0 : i32, i32
  }
}

</mosaic_0001>

<sc_bundles>
// kernel: kernel.6.cloned.1.call-start
scs
__scs_entry_jumppad:
0x0: {  	(pc) =	sbr.rel $0x88, $3  }
0x1: {  	(tag) =	ssettag $0x0;
	lr =	simm.s32 $0x1  }
0x2: {  	[smem:$0x3F9B] =	sst lr;
	_ =	strace $0xD0000000  }
0x3: {  	_ = 	snop  }
0x4: {  	_ = 	snop  }
0x5: {  	_ = 	snop  }
0x6: {  	_ = 	snop  }
0x7: {  	_ = 	snop  }
__scs_overlays_trampoline_lowered:
0x8: {  	[smem:$0x3FAA] =	sst s0  }
0x9: {  	[smem:$0x3FAB] =	sst s1  }
0xa: {  	[smem:$0x3FAC] =	sst s2  }
0xb: {  	[smem:$0x3FAD] =	sst s3  }
0xc: {  	[smem:$0x3FAE] =	sst s4  }
0xd: {  	[smem:$0x3FAF] =	sst s5  }
0xe: {  	[smem:$0x3FB0] =	sst s6  }
0xf: {  	[smem:$0x3FB1] =	sst s7  }
0x10: {  	[smem:$0x3FB2] =	sst s8  }
0x11: {  	[smem:$0x3FB3] =	sst s9;
	s0 =	simm.s32 @!p0 $0x0  }
0x12: {  	s1 =	sld [smem:$0x3F99];
	s0 =	simm.s32 @p0 $0x1  }
0x13: {  	[smem:$0x3FB4] =	sst s0;
	s0 =	simm.s32 @!p1 $0x0  }
0x14: {  	s2 =	sld [smem:$0x3F98];
	s0 =	simm.s32 @p1 $0x1  }
0x15: {  	[smem:$0x3FB5] =	sst s0;
	s0 =	simm.s32 @!p2 $0x0  }
0x16: {  	s3 =	sld [smem:$0x3FDB];
	s0 =	simm.s32 @p2 $0x1  }
0x17: {  	s4 =	simm.s32 $0x1BF5;
	[smem:$0x3FB7] =	sst s0  }
0x18: {  	s0 =	sld [smem:$0x3F9A];
	_ =	swait.ge [sflag:s4], $0x0  }
0x19: {  	s7 =	sld [smem:$0x3F9B]  }
0x1a: {  	s8 =	sadd.s32 $0xFFFFE003, lr  }
0x1b: {  	s9 =	sadd.s32 $0xFFFFFEF7, lr;
	s5 =	simm.s32 $0xFFFFFFFF;
	p2 =	slt.u32 s8, $0xFFFFF086  }
0x1c: {  	p1 =	slt.u32 s9, $0xF7A;
	s5 =	simm.s32 @!p2 $0x0  }
0x1d: {  	s5 =	simm.s32 @p1 $0x1;
	p0 =	seq.s32 s7, s2  }
0x1e: {  	s7 =	smul.u32 @!p0 $0xF7A, s2;
	p2 =	seq.s32 @!p0 s5, $0x0  }
0x1f: {  	s9 =	smul.u32 $0xF7A, s1;
	s8 =	simm.s32 @!p0 $0x1BF5;
	p2 =	por !p2, p0  }
0x20: {  	[sflag:s8] =	ssyncset.s32 @!p0 $0xFFFFF086;
	s6 =	sadd.s32 @!p0 s3, s7;
	s7 =	simm.s32 @!p0 $0x108  }
0x21: {  	s3 =	sadd.s32 s3, s9;
	s6 =	sadd.s32 @!p0 $0x88, s6;
	s7 =	simm.s32 @p2 $0x1082  }
0x22: {  	[simem:s7], [sflag:s8] =	dma.local @!p0 [hbm:s6], $0xF7A  }
0x23: {  	s9 =	sor.u32 $0xD0000000, s2;
	s6 =	simm.s32 $0x108;
	_ =	swait.ge @!p0 [sflag:s8], $0x0  }
0x24: {  	s3 =	sadd.s32 $0x88, s3;
	s6 =	simm.s32 @!p1 $0x1082;
	[sflag:s4] =	ssyncset.s32 $0xFFFFF086  }
0x25: {  	[simem:s6], [sflag:s4] =	dma.local [hbm:s3], $0xF7A  }
0x26: {  	[smem:$0x3F9B] =	sst s1;
	(tag) =	ssettag s2;
	_ =	strace s9  }
0x27: {  	s1 =	sld [smem:$0x3FAB]  }
0x28: {  	s2 =	sld [smem:$0x3FAC]  }
0x29: {  	s4 =	sld [smem:$0x3FAE]  }
0x2a: {  	p0 =	seq.s32 s5, $0x0;
	s5 =	sld [smem:$0x3FAF]  }
0x2b: {  	s6 =	sld [smem:$0x3FB0]  }
0x2c: {  	s7 =	sld [smem:$0x3FB1]  }
0x2d: {  	s3 =	simm.s32 $0x108;
	s8 =	sld [smem:$0x3FB2]  }
0x2e: {  	s3 =	simm.s32 @!p0 $0x1082;
	s9 =	sld [smem:$0x3FB3]  }
0x2f: {  	lr =	sadd.s32 s0, s3;
	s0 =	sld [smem:$0x3FAA]  }
0x30: {  	s3 =	sld [smem:$0x3FAD]  }
0x31: {  	[smem:$0x3FB6] =	sst s10  }
0x32: {  	s10 =	sld [smem:$0x3FB4];
	_ =	sdelay $0x3  }
0x33: {  	p0 =	seq.s32 s10, $0x1;
	s10 =	sld [smem:$0x3FB6];
	_ =	sdelay $0x3  }
0x34: {  	[smem:$0x3FB6] =	sst s10  }
0x35: {  	s10 =	sld [smem:$0x3FB5];
	_ =	sdelay $0x3  }
0x36: {  	p1 =	seq.s32 s10, $0x1;
	s10 =	sld [smem:$0x3FB6];
	_ =	sdelay $0x3  }
0x37: {  	[smem:$0x3FB6] =	sst s10  }
0x38: {  	s10 =	sld [smem:$0x3FB7]  }
0x39: {  	_ = 	snop;
	(pc) =	sbr.ind lr, $3  }
0x3a: {  	_ = 	snop  }
0x3b: {  	_ = 	snop  }
0x3c: {  	p2 =	seq.s32 s10, $0x1;
	s10 =	sld [smem:$0x3FB6]  }
0x3d: {  	_ =	shalt  }
0x3e: {  	_ =	shalt  }
0x3f: {  	_ =	shalt  }
0x40: {  	_ =	shalt  }
0x41: {  	_ =	shalt  }
0x42: {  	_ =	shalt  }
0x43: {  	_ =	shalt  }
0x44: {  	_ =	shalt  }
0x45: {  	_ =	shalt  }
0x46: {  	_ =	shalt  }
0x47: {  	_ =	shalt  }
0x48: {  	_ =	shalt  }
0x49: {  	_ =	shalt  }
0x4a: {  	_ =	shalt  }
0x4b: {  	_ =	shalt  }
0x4c: {  	_ =	shalt  }
0x4d: {  	_ =	shalt  }
0x4e: {  	_ =	shalt  }
0x4f: {  	_ =	shalt  }
0x50: {  	_ =	shalt  }
0x51: {  	_ =	shalt  }
0x52: {  	_ =	shalt  }
0x53: {  	_ =	shalt  }
0x54: {  	_ =	shalt  }
0x55: {  	_ =	shalt  }
0x56: {  	_ =	shalt  }
0x57: {  	_ =	shalt  }
0x58: {  	_ =	shalt  }
0x59: {  	_ =	shalt  }
0x5a: {  	_ =	shalt  }
0x5b: {  	_ =	shalt  }
0x5c: {  	_ =	shalt  }
0x5d: {  	_ =	shalt  }
0x5e: {  	_ =	shalt  }
0x5f: {  	_ =	shalt  }
0x60: {  	_ =	shalt  }
0x61: {  	_ =	shalt  }
0x62: {  	_ =	shalt  }
0x63: {  	_ =	shalt  }
0x64: {  	_ =	shalt  }
0x65: {  	_ =	shalt  }
0x66: {  	_ =	shalt  }
0x67: {  	_ =	shalt  }
0x68: {  	_ =	shalt  }
0x69: {  	_ =	shalt  }
0x6a: {  	_ =	shalt  }
0x6b: {  	_ =	shalt  }
0x6c: {  	_ =	shalt  }
0x6d: {  	_ =	shalt  }
0x6e: {  	_ =	shalt  }
0x6f: {  	_ =	shalt  }
0x70: {  	_ =	shalt  }
0x71: {  	_ =	shalt  }
0x72: {  	_ =	shalt  }
0x73: {  	_ =	shalt  }
0x74: {  	_ =	shalt  }
0x75: {  	_ =	shalt  }
0x76: {  	_ =	shalt  }
0x77: {  	_ =	shalt  }
0x78: {  	_ =	shalt  }
0x79: {  	_ =	shalt  }
0x7a: {  	_ =	shalt  }
0x7b: {  	_ =	shalt  }
0x7c: {  	_ =	shalt  }
0x7d: {  	_ =	shalt  }
0x7e: {  	_ =	shalt  }
0x7f: {  	_ =	shalt  }
0x80: {  	_ =	shalt  }
0x81: {  	_ =	shalt  }
0x82: {  	_ =	shalt  }
0x83: {  	_ =	shalt  }
0x84: {  	_ =	shalt  }
0x85: {  	_ =	shalt  }
0x86: {  	_ =	shalt  }
0x87: {  	_ =	shalt  }
.Lfunc_end0:
.L_simem_size_0:
called_computation_lowered:
.L_overlay_start_0:
0x88: {  	s2 =	sld [smem:$0x3FD9]  }
0x89: {  	s3 =	sld [smem:$0x3FFE];
	_ =	sdelay $0x1  }
0x8a: {  	s1 =	srdreg.scid  }
0x8b: {  	s0 =	sand.u32 $0x1, s1  }
0x8c: {  	s17 =	sshll.u32 s0, $0xA;
	s2 =	sadd.s32 s3, s2  }
0x8d: {  	s2 =	sadd.s32 s2, s17  }
0x8e: {  	[smem:$0x3FC2] =	sst s2  }
0x8f: {  	_ = 	snop  }
0x90: {  	s2 =	sld [smem:$0x3FD0];
	(tm) =	ssettm $0x1  }
0x91: {  	s18 =	sld [smem:$0x3FFB];
	_ =	sdelay $0x3  }
0x92: {  	_ =	strace s18  }
0x93: {  	s3 =	sld [smem:$0x3FFC];
	_ =	sdelay $0x3  }
0x94: {  	_ =	strace s3  }
0x95: {  	s3 =	sld [smem:$0x3FFD];
	_ =	sdelay $0x3  }
0x96: {  	_ =	strace s3  }
0x97: {  	_ =	strace $0x8FFFFFFF  }
0x98: {  	s19 =	sld [smem:$0x3FDB];
	_ =	sdelay $0x1  }
0x99: {  	s4 =	simm.s32 $_scs_section_size  }
0x9a: {  	s5 =	simm.s32 $_size__tile_overlayer_lowered;
	s6 =	simm.s32 $_tile_overlayer_lowered  }
0x9b: {  	s22 =	simm.s32 $0x1BFF;
	s21 =	sshll.u32 s6, $0x1;
	s3 =	sadd.s32 s4, s19  }
0x9c: {  	s7 =	simm.s32 $0x0;
	s20 =	sshll.u32 s5, $0x1;
	s5 =	sadd.s32 s21, s3  }
0x9d: {  	[timem:s7], [sflag:s22] =	dma.local [hbm:s5], s20  }
0x9e: {  	_ =	swait.ge [sflag:s22], s20  }
0x9f: {  	s4 =	ssub.s32 $0x0, s20;
	[sflag:s22] =	ssyncset.done $0x0  }
0xa0: {  	[sflag:s22] =	ssyncadd.s32 s4;
	_ =	sdelay $0x1  }
0xa1: {  	s23 =	simm.s32 $0x1B8B  }
0xa2: {  	_ =	swait.ge [sflag:s23], $0x1  }
0xa3: {  	[sflag:s23] =	ssyncset.done $0x0  }
0xa4: {  	s25 =	simm.s32 $0x1B8E;
	s24 =	sld [smem:$0x3FFE];
	[sflag:s23] =	ssyncadd.s32 $0xFFFFFFFF  }
0xa5: {  	s26 =	simm.s32 $execute0_lowered;
	[smem:$0x3FD2] =	sst s25  }
0xa6: {  	s5 =	sshll.u32 s26, $0x1;
	_ =	strace $0x80000046;
	[dreg:$0x1] =	wrdreg $0xFFFFFFFF  }
0xa7: {  	s28 =	simm.s32 $_size_execute0_lowered;
	s3 =	sadd.s32 s3, s5;
	[dreg:$0x0] =	wrdreg $0x0  }
0xa8: {  	s5 =	sshll.u32 s28, $0x1;
	[dreg:$0x2] =	wrdreg s3  }
0xa9: {  	[dreg:$0x3] =	wrdreg s5  }
0xaa: {  	[dreg:$0x4] =	wrdreg $0xC0  }
0xab: {  	_ =	task [dreg:s7], $0x5FFFF  }
0xac: {  	[dreg:$0x1] =	wrdreg $0xFFFFFFFF  }
0xad: {  	[dreg:$0x0] =	wrdreg $0x60  }
0xae: {  	[dreg:$0x2] =	wrdreg s2  }
0xaf: {  	[dreg:$0x3] =	wrdreg s24  }
0xb0: {  	[dreg:$0x4] =	wrdreg $0x160800  }
0xb1: {  	[dreg:$0x5] =	wrdreg $0x9  }
0xb2: {  	_ =	task.clear_ibuf [dreg:s7], $0x6FFFF;
	_ =	strace $0x90000046  }
0xb3: {  	s29 =	simm.s32 $0x9;
	_ =	strace $0x80000048  }
0xb4: {  	_ =	swait.ge [sflag:s29], $0x1  }
0xb5: {  	[sflag:s29] =	ssyncadd.s32 $0xFFFFFFFF  }
0xb6: {  	_ =	strace $0x90000048  }
0xb7: {  	_ =	sfence  }
0xb8: {  	s30 =	sld [smem:$0x0];
	_ =	sdelay $0x2  }
0xb9: {  	s31 =	sshll.u32 s1, $0xD;
	s1 =	sshrl.u32 s1, $0x2  }
0xba: {  	s3 =	sand.u32 $0x4000, s31;
	s1 =	sadd.s32 s1, s30  }
0xbb: {  	s0 =	sor.u32 s3, s0;
	s1 =	sshll.u32 s1, $0x11  }
0xbc: {  	s0 =	sor.u32 s1, s0  }
0xbd: {  	s0 =	sadd.s32 $0x8F2B, s0  }
0xbe: {  	[sflag:s0] =	ssyncadd.remote.s32 $0x1  }
0xbf: {  	_ =	sfence.sel $0xFFFF  }
0xc0: {  	[dreg:$0x0] =	wrdreg $0xFFFFFFFF;
	(pc) =	sbr.abs _section_cstart, $3  }
0xc1: {  	[dreg:$0x1] =	wrdreg $0xFFFFFFFF  }
0xc2: {  	_ =	task.clear_ibuf [dreg:s7], $0x2FFFF;
	_ =	strace $0x9FFFFFFF  }
0xc3: {  	(tm) =	ssettm $0x7FFFFFFF  }
tec
execute0_lowered:
.L_overlay_start_1:
0x0: {  	(tag) =	ssettag $0x1  }
0x1: {  	s1 =	srdreg.scid;
	s6 =	rddreg [dreg:$0x0]  }
0x2: {  	s0 =	stileid.u32;
	s5 =	rddreg [dreg:$0x1]  }
0x3: {  	s2 =	rddreg [dreg:$0x2];
	s3 =	simm.s32 $0x0;
	s4 =	sand.u32 $0x1, s1  }
0x4: {  	s30 =	sshll.u32 s0, $0x1;
	s1 =	rddreg [dreg:$0x3];
	s9 =	smul.u32 $0x1400, s0  }
0x5: {  	[smem:$0x7FF] =	sst s3;
	s31 =	sshll.u32 s0, $0x6;
	s7 =	sor.u32 s4, s30  }
0x6: {  	s10 =	smul.u32 $0x14000, s4;
	_ =	strace $0x80000047;
	s4 =	ssub.s32 $0x2, s4  }
0x7: {  	s8 =	smul.u32 $0x2710, s7;
	s11 =	sshrl.u32 s9, $0x3;
	s12 =	sshrl.u32 s4, $0x1  }
0x8: {  	s7 =	smul.u32 $0x500, s7;
	s13 =	sadd.s32 s9, s2;
	s10 =	sadd.s32 s9, s10  }
0x9: {  	s11 =	sadd.s32 s11, s5;
	s12 =	ssub.s32 s4, s12;
	s8 =	sadd.s32 s8, s5  }
0xa: {  	s10 =	sshrl.u32 s10, $0x3;
	s4 =	sadd.s32 $0xA00, s11;
	s6 =	sadd.s32 s6, s7  }
0xb: {  	s9 =	smax.u32 s12, $0x1;
	s11 =	simm.s32 $0x1;
	s12 =	simm.s32 $0x7D  }
0xc: {  	s10 =	sadd.s32 s10, s5;
	s5 =	sor.u32 $0x1C01, s31;
	s7 =	sadd.s32 $0x4E2A00, s8  }
0xd: {  	s8 =	sadd.s32 $0x3200, s10;
	s10 =	sshrl.u32 s13, $0x3;
	s13 =	simm.s32 $0x0  }
.LBB2_1:
0xe: {  	[spmem:s10], [sflag:s5] =	dma.local [hbm:s4], $0x280  }
0xf: {  	_ =	swait.ge [sflag:s11], $0x280  }
0x10: {  	[sflag:s11] =	ssyncset.done $0x0  }
0x11: {  	[sflag:s11] =	ssyncadd.s32 $0xFFFFFD80  }
0x12: {  	[tilespmem:s3], [sflag:$0x1] =	stream.linear.gather [hbm4b:s6+s3], $0x2800, $0x38;
	[tilespmem:$0x17480] =	vst v63  }
0x13: {  	_ =	swait.ge [sflag:s11], $0x2800  }
0x14: {  	[sflag:s11] =	ssyncset.done $0x0  }
0x15: {  	s14 =	simm.s32 $0x2800;
	[sflag:s11] =	ssyncadd.s32 $0xFFFFD800  }
0x16: {  	[tilespmem:s14], [sflag:$0x1] =	stream.linear.gather [hbm4b:s7+s3], $0x13880, $0x38;
	[tilespmem:$0x17480] =	vst v63  }
0x17: {  	_ =	swait.ge [sflag:s11], $0x13880  }
0x18: {  	[sflag:s11] =	ssyncset.done $0x0  }
0x19: {  	[sflag:s11] =	ssyncadd.s32 $0xFFFEC780  }
0x1a: {  	s15 =	simm.s32 $0x0;
	[bflag:$0x0] =	sbarrier.arrive $0xFFFF  }
0x1b: {  	[spmem:s2] =	stream.indirect.scatter.add.f32 [tilespmem:s14], [sflag:$0x1], $0x8, s15, s12, $0xb8;
	[tilespmem:$0x17480] =	vst v63  }
0x1c: {  	_ =	swait.ge [sflag:s11], $0x3E8  }
0x1d: {  	s15 =	simm.s32 $0x200;
	[sflag:s11] =	ssyncset.done $0x0  }
.LBB2_2:
0x1e: {  	s16 =	sshra.s32 s15, $0x2  }
0x1f: {  	[sflag:s11] =	ssyncadd.s32 $0xFFFFFC18;
	s14 =	sadd.s32 $0x3E8, s14;
	p0 =	sne.s32 s15, $0x9E00  }
0x20: {  	[spmem:s2] =	stream.indirect.scatter.add.f32 [tilespmem:s14], [sflag:$0x1], $0x8, s16, s12, $0xb8;
	[tilespmem:$0x17480] =	vst v63  }
.Ltmp0:
0x21: {  	_ = 	snop;
	(pc) =	sbr.rel @p0 .LBB2_2-.Ltmp0, $4  }
0x22: {  	_ = 	snop  }
0x23: {  	s15 =	sadd.s32 $0x200, s15  }
0x24: {  	_ =	swait.ge [sflag:s11], $0x3E8  }
0x25: {  	[sflag:s11] =	ssyncset.done $0x0  }
0x26: {  	s13 =	sadd.s32 $0x1, s13  }
0x27: {  	[sflag:s11] =	ssyncadd.s32 $0xFFFFFC18;
	p0 =	sne.s32 s13, s9  }
.Ltmp1:
0x28: {  	[bflag:$0x0] =	sbarrier.arrive $0xFFFF;
	(pc) =	sbr.rel @p0 .LBB2_1-.Ltmp1, $4  }
0x29: {  	[hbm:s8], [sflag:s5] =	dma.local [spmem:s10], $0x280  }
0x2a: {  	_ =	swait.ge [sflag:s11], $0x280  }
0x2b: {  	[sflag:s11] =	ssyncset.done $0x0  }
0x2c: {  	[sflag:s11] =	ssyncadd.s32 $0xFFFFFD80  }
0x2d: {  	_ =	sfence.sel $0x180000  }
0x2e: {  	[bflag:$0x0] =	sbarrier.arrive $0xFFFF  }
0x2f: {  	p0 =	sne.s32 s0, $0x0;
	_ =	strace $0x90000047  }
0x30: {  	s0 =	sadd.s32 @!p0 $0x100000, s1;
	[bflag:$0x2] =	sbarrier.arrive $0xFFFF  }
0x31: {  	[sflag:s0] =	ssyncadd.tile.s32 @!p0 $0x1;
	_ =	shalt  }
.Lfunc_end2:
_tile_overlayer_lowered:
.L_overlay_start_2:
0x32: {  	(tag) =	ssettag $0x2  }
0x33: {  	s0 =	rddreg [dreg:$0x0];
	s2 =	stileid.u32  }
0x34: {  	s1 =	rddreg [dreg:$0x1];
	p0 =	sne.s32 s2, $0x0  }
0x35: {  	s3 =	rddreg [dreg:$0x2];
	[bflag:$0x3] =	sbarrier.arrive $0xFFFF;
	s2 =	simm.s32 @!p0 $0x1C01  }
0x36: {  	[timem:s3], [sflag:s2] =	dma.local @!p0 [hbm:s0], s1  }
0x37: {  	s0 =	simm.s32 @!p0 $0x1  }
0x38: {  	_ =	swait.ge @!p0 [sflag:s0], s1  }
0x39: {  	s1 =	ssub.s32 @!p0 $0x0, s1;
	[sflag:s0] =	ssyncset.done @!p0 $0x0  }
0x3a: {  	[sflag:s0] =	ssyncadd.s32 @!p0 s1  }
0x3b: {  	[bflag:$0x3] =	sbarrier.arrive $0xFFFF  }
0x3c: {  	_ =	shalt  }

// kernel: kernel.9.cloned.1.call-start
scs
__scs_entry_jumppad:
0x0: {  	(pc) =	sbr.rel $0x88, $3  }
0x1: {  	(tag) =	ssettag $0x0;
	lr =	simm.s32 $0x1  }
0x2: {  	[smem:$0x3F9B] =	sst lr;
	_ =	strace $0xD0000000  }
0x3: {  	_ = 	snop  }
0x4: {  	_ = 	snop  }
0x5: {  	_ = 	snop  }
0x6: {  	_ = 	snop  }
0x7: {  	_ = 	snop  }
__scs_overlays_trampoline_lowered:
0x8: {  	[smem:$0x3FAA] =	sst s0  }
0x9: {  	[smem:$0x3FAB] =	sst s1  }
0xa: {  	[smem:$0x3FAC] =	sst s2  }
0xb: {  	[smem:$0x3FAD] =	sst s3  }
0xc: {  	[smem:$0x3FAE] =	sst s4  }
0xd: {  	[smem:$0x3FAF] =	sst s5  }
0xe: {  	[smem:$0x3FB0] =	sst s6  }
0xf: {  	[smem:$0x3FB1] =	sst s7  }
0x10: {  	[smem:$0x3FB2] =	sst s8  }
0x11: {  	[smem:$0x3FB3] =	sst s9;
	s0 =	simm.s32 @!p0 $0x0  }
0x12: {  	s1 =	sld [smem:$0x3F99];
	s0 =	simm.s32 @p0 $0x1  }
0x13: {  	[smem:$0x3FB4] =	sst s0;
	s0 =	simm.s32 @!p1 $0x0  }
0x14: {  	s2 =	sld [smem:$0x3F98];
	s0 =	simm.s32 @p1 $0x1  }
0x15: {  	[smem:$0x3FB5] =	sst s0;
	s0 =	simm.s32 @!p2 $0x0  }
0x16: {  	s3 =	sld [smem:$0x3FDB];
	s0 =	simm.s32 @p2 $0x1  }
0x17: {  	s4 =	simm.s32 $0x1BF5;
	[smem:$0x3FB7] =	sst s0  }
0x18: {  	s0 =	sld [smem:$0x3F9A];
	_ =	swait.ge [sflag:s4], $0x0  }
0x19: {  	s7 =	sld [smem:$0x3F9B]  }
0x1a: {  	s8 =	sadd.s32 $0xFFFFE003, lr  }
0x1b: {  	s9 =	sadd.s32 $0xFFFFFEF7, lr;
	s5 =	simm.s32 $0xFFFFFFFF;
	p2 =	slt.u32 s8, $0xFFFFF086  }
0x1c: {  	p1 =	slt.u32 s9, $0xF7A;
	s5 =	simm.s32 @!p2 $0x0  }
0x1d: {  	s5 =	simm.s32 @p1 $0x1;
	p0 =	seq.s32 s7, s2  }
0x1e: {  	s7 =	smul.u32 @!p0 $0xF7A, s2;
	p2 =	seq.s32 @!p0 s5, $0x0  }
0x1f: {  	s9 =	smul.u32 $0xF7A, s1;
	s8 =	simm.s32 @!p0 $0x1BF5;
	p2 =	por !p2, p0  }
0x20: {  	[sflag:s8] =	ssyncset.s32 @!p0 $0xFFFFF086;
	s6 =	sadd.s32 @!p0 s3, s7;
	s7 =	simm.s32 @!p0 $0x108  }
0x21: {  	s3 =	sadd.s32 s3, s9;
	s6 =	sadd.s32 @!p0 $0x88, s6;
	s7 =	simm.s32 @p2 $0x1082  }
0x22: {  	[simem:s7], [sflag:s8] =	dma.local @!p0 [hbm:s6], $0xF7A  }
0x23: {  	s9 =	sor.u32 $0xD0000000, s2;
	s6 =	simm.s32 $0x108;
	_ =	swait.ge @!p0 [sflag:s8], $0x0  }
0x24: {  	s3 =	sadd.s32 $0x88, s3;
	s6 =	simm.s32 @!p1 $0x1082;
	[sflag:s4] =	ssyncset.s32 $0xFFFFF086  }
0x25: {  	[simem:s6], [sflag:s4] =	dma.local [hbm:s3], $0xF7A  }
0x26: {  	[smem:$0x3F9B] =	sst s1;
	(tag) =	ssettag s2;
	_ =	strace s9  }
0x27: {  	s1 =	sld [smem:$0x3FAB]  }
0x28: {  	s2 =	sld [smem:$0x3FAC]  }
0x29: {  	s4 =	sld [smem:$0x3FAE]  }
0x2a: {  	p0 =	seq.s32 s5, $0x0;
	s5 =	sld [smem:$0x3FAF]  }
0x2b: {  	s6 =	sld [smem:$0x3FB0]  }
0x2c: {  	s7 =	sld [smem:$0x3FB1]  }
0x2d: {  	s3 =	simm.s32 $0x108;
	s8 =	sld [smem:$0x3FB2]  }
0x2e: {  	s3 =	simm.s32 @!p0 $0x1082;
	s9 =	sld [smem:$0x3FB3]  }
0x2f: {  	lr =	sadd.s32 s0, s3;
	s0 =	sld [smem:$0x3FAA]  }
0x30: {  	s3 =	sld [smem:$0x3FAD]  }
0x31: {  	[smem:$0x3FB6] =	sst s10  }
0x32: {  	s10 =	sld [smem:$0x3FB4];
	_ =	sdelay $0x3  }
0x33: {  	p0 =	seq.s32 s10, $0x1;
	s10 =	sld [smem:$0x3FB6];
	_ =	sdelay $0x3  }
0x34: {  	[smem:$0x3FB6] =	sst s10  }
0x35: {  	s10 =	sld [smem:$0x3FB5];
	_ =	sdelay $0x3  }
0x36: {  	p1 =	seq.s32 s10, $0x1;
	s10 =	sld [smem:$0x3FB6];
	_ =	sdelay $0x3  }
0x37: {  	[smem:$0x3FB6] =	sst s10  }
0x38: {  	s10 =	sld [smem:$0x3FB7]  }
0x39: {  	_ = 	snop;
	(pc) =	sbr.ind lr, $3  }
0x3a: {  	_ = 	snop  }
0x3b: {  	_ = 	snop  }
0x3c: {  	p2 =	seq.s32 s10, $0x1;
	s10 =	sld [smem:$0x3FB6]  }
0x3d: {  	_ =	shalt  }
0x3e: {  	_ =	shalt  }
0x3f: {  	_ =	shalt  }
0x40: {  	_ =	shalt  }
0x41: {  	_ =	shalt  }
0x42: {  	_ =	shalt  }
0x43: {  	_ =	shalt  }
0x44: {  	_ =	shalt  }
0x45: {  	_ =	shalt  }
0x46: {  	_ =	shalt  }
0x47: {  	_ =	shalt  }
0x48: {  	_ =	shalt  }
0x49: {  	_ =	shalt  }
0x4a: {  	_ =	shalt  }
0x4b: {  	_ =	shalt  }
0x4c: {  	_ =	shalt  }
0x4d: {  	_ =	shalt  }
0x4e: {  	_ =	shalt  }
0x4f: {  	_ =	shalt  }
0x50: {  	_ =	shalt  }
0x51: {  	_ =	shalt  }
0x52: {  	_ =	shalt  }
0x53: {  	_ =	shalt  }
0x54: {  	_ =	shalt  }
0x55: {  	_ =	shalt  }
0x56: {  	_ =	shalt  }
0x57: {  	_ =	shalt  }
0x58: {  	_ =	shalt  }
0x59: {  	_ =	shalt  }
0x5a: {  	_ =	shalt  }
0x5b: {  	_ =	shalt  }
0x5c: {  	_ =	shalt  }
0x5d: {  	_ =	shalt  }
0x5e: {  	_ =	shalt  }
0x5f: {  	_ =	shalt  }
0x60: {  	_ =	shalt  }
0x61: {  	_ =	shalt  }
0x62: {  	_ =	shalt  }
0x63: {  	_ =	shalt  }
0x64: {  	_ =	shalt  }
0x65: {  	_ =	shalt  }
0x66: {  	_ =	shalt  }
0x67: {  	_ =	shalt  }
0x68: {  	_ =	shalt  }
0x69: {  	_ =	shalt  }
0x6a: {  	_ =	shalt  }
0x6b: {  	_ =	shalt  }
0x6c: {  	_ =	shalt  }
0x6d: {  	_ =	shalt  }
0x6e: {  	_ =	shalt  }
0x6f: {  	_ =	shalt  }
0x70: {  	_ =	shalt  }
0x71: {  	_ =	shalt  }
0x72: {  	_ =	shalt  }
0x73: {  	_ =	shalt  }
0x74: {  	_ =	shalt  }
0x75: {  	_ =	shalt  }
0x76: {  	_ =	shalt  }
0x77: {  	_ =	shalt  }
0x78: {  	_ =	shalt  }
0x79: {  	_ =	shalt  }
0x7a: {  	_ =	shalt  }
0x7b: {  	_ =	shalt  }
0x7c: {  	_ =	shalt  }
0x7d: {  	_ =	shalt  }
0x7e: {  	_ =	shalt  }
0x7f: {  	_ =	shalt  }
0x80: {  	_ =	shalt  }
0x81: {  	_ =	shalt  }
0x82: {  	_ =	shalt  }
0x83: {  	_ =	shalt  }
0x84: {  	_ =	shalt  }
0x85: {  	_ =	shalt  }
0x86: {  	_ =	shalt  }
0x87: {  	_ =	shalt  }
.Lfunc_end0:
.L_simem_size_0:
called_computation.1_lowered:
.L_overlay_start_0:
0x88: {  	s2 =	sld [smem:$0x3FD9]  }
0x89: {  	s3 =	sld [smem:$0x3FFE];
	_ =	sdelay $0x1  }
0x8a: {  	s1 =	srdreg.scid  }
0x8b: {  	s0 =	sand.u32 $0x1, s1  }
0x8c: {  	s17 =	sshll.u32 s0, $0xA;
	s2 =	sadd.s32 s3, s2  }
0x8d: {  	s2 =	sadd.s32 s2, s17  }
0x8e: {  	[smem:$0x3FC2] =	sst s2  }
0x8f: {  	_ = 	snop  }
0x90: {  	s2 =	sld [smem:$0x3FC8]  }
0x91: {  	s18 =	sld [smem:$0x3FD0];
	(tm) =	ssettm $0x1  }
0x92: {  	s4 =	sld [smem:$0x3FFB];
	_ =	sdelay $0x3  }
0x93: {  	_ =	strace s4  }
0x94: {  	s4 =	sld [smem:$0x3FFC];
	_ =	sdelay $0x3  }
0x95: {  	_ =	strace s4  }
0x96: {  	s4 =	sld [smem:$0x3FFD];
	_ =	sdelay $0x3  }
0x97: {  	_ =	strace s4  }
0x98: {  	_ =	strace $0x8FFFFFFF  }
0x99: {  	s19 =	sld [smem:$0x3FDB];
	_ =	sdelay $0x1  }
0x9a: {  	s5 =	simm.s32 $_scs_section_size  }
0x9b: {  	s6 =	simm.s32 $_size__tile_overlayer_lowered;
	s7 =	simm.s32 $_tile_overlayer_lowered  }
0x9c: {  	s22 =	simm.s32 $0x1BFF;
	s21 =	sshll.u32 s7, $0x1;
	s4 =	sadd.s32 s5, s19  }
0x9d: {  	s8 =	simm.s32 $0x0;
	s20 =	sshll.u32 s6, $0x1;
	s6 =	sadd.s32 s21, s4  }
0x9e: {  	[timem:s8], [sflag:s22] =	dma.local [hbm:s6], s20  }
0x9f: {  	_ =	swait.ge [sflag:s22], s20  }
0xa0: {  	s5 =	ssub.s32 $0x0, s20;
	[sflag:s22] =	ssyncset.done $0x0  }
0xa1: {  	[sflag:s22] =	ssyncadd.s32 s5;
	_ =	sdelay $0x1  }
0xa2: {  	s23 =	simm.s32 $0x1B8B  }
0xa3: {  	_ =	swait.ge [sflag:s23], $0x1  }
0xa4: {  	[sflag:s23] =	ssyncset.done $0x0  }
0xa5: {  	s25 =	simm.s32 $0x1B8E;
	s24 =	sld [smem:$0x3FFE];
	[sflag:s23] =	ssyncadd.s32 $0xFFFFFFFF  }
0xa6: {  	s26 =	simm.s32 $execute0_lowered;
	[smem:$0x3FD2] =	sst s25  }
0xa7: {  	s6 =	sshll.u32 s26, $0x1;
	_ =	strace $0x80000049;
	[dreg:$0x1] =	wrdreg $0xFFFFFFFF  }
0xa8: {  	s28 =	simm.s32 $_size_execute0_lowered;
	s4 =	sadd.s32 s4, s6;
	[dreg:$0x0] =	wrdreg $0x0  }
0xa9: {  	s6 =	sshll.u32 s28, $0x1;
	[dreg:$0x2] =	wrdreg s4  }
0xaa: {  	[dreg:$0x3] =	wrdreg s6  }
0xab: {  	[dreg:$0x4] =	wrdreg $0xC0  }
0xac: {  	_ =	task [dreg:s8], $0x5FFFF  }
0xad: {  	[dreg:$0x1] =	wrdreg $0xFFFFFFFF  }
0xae: {  	[dreg:$0x0] =	wrdreg $0x60  }
0xaf: {  	[dreg:$0x2] =	wrdreg s24  }
0xb0: {  	[dreg:$0x3] =	wrdreg s2  }
0xb1: {  	[dreg:$0x4] =	wrdreg s18  }
0xb2: {  	[dreg:$0x5] =	wrdreg $0x9  }
0xb3: {  	_ =	task.clear_ibuf [dreg:s8], $0x6FFFF;
	_ =	strace $0x90000049  }
0xb4: {  	s29 =	simm.s32 $0x9;
	_ =	strace $0x8000004B  }
0xb5: {  	_ =	swait.ge [sflag:s29], $0x1  }
0xb6: {  	[sflag:s29] =	ssyncadd.s32 $0xFFFFFFFF  }
0xb7: {  	_ =	strace $0x9000004B  }
0xb8: {  	_ =	sfence  }
0xb9: {  	s30 =	sld [smem:$0x0];
	_ =	sdelay $0x2  }
0xba: {  	s31 =	sshll.u32 s1, $0xD;
	s1 =	sshrl.u32 s1, $0x2  }
0xbb: {  	s3 =	sand.u32 $0x4000, s31;
	s1 =	sadd.s32 s1, s30  }
0xbc: {  	s0 =	sor.u32 s3, s0;
	s1 =	sshll.u32 s1, $0x11  }
0xbd: {  	s0 =	sor.u32 s1, s0  }
0xbe: {  	s0 =	sadd.s32 $0x8F2B, s0  }
0xbf: {  	[sflag:s0] =	ssyncadd.remote.s32 $0x1  }
0xc0: {  	_ =	sfence.sel $0xFFFF  }
0xc1: {  	[dreg:$0x0] =	wrdreg $0xFFFFFFFF;
	(pc) =	sbr.abs _section_cstart, $3  }
0xc2: {  	[dreg:$0x1] =	wrdreg $0xFFFFFFFF  }
0xc3: {  	_ =	task.clear_ibuf [dreg:s8], $0x2FFFF;
	_ =	strace $0x9FFFFFFF  }
0xc4: {  	(tm) =	ssettm $0x7FFFFFFF  }
0xc5: {  	_ =	shalt  }
tec
execute0_lowered:
.L_overlay_start_1:
0x0: {  	(tag) =	ssettag $0x1  }
0x1: {  	s4 =	rddreg [dreg:$0x0]  }
0x2: {  	s5 =	rddreg [dreg:$0x1];
	s1 =	srdreg.scid  }
0x3: {  	s0 =	stileid.u32;
	s7 =	rddreg [dreg:$0x2];
	s2 =	simm.s32 $0x0  }
0x4: {  	s12 =	simm.s32 $0x19DD0;
	s13 =	simm.s32 $0x19DD6;
	s14 =	simm.s32 $0x19DDC  }
0x5: {  	s15 =	simm.s32 $0x19DE2;
	s16 =	simm.s32 $0x1D868;
	s17 =	simm.s32 $0x1D86E  }
0x6: {  	s18 =	simm.s32 $0x1D874;
	s6 =	sand.u32 $0x1, s1;
	s3 =	sshll.u32 s0, $0x1  }
0x7: {  	s19 =	simm.s32 $0x1D87A;
	s20 =	simm.s32 $0x16350;
	s8 =	sor.u32 s6, s3  }
0x8: {  	v0 =	vimm.s32 $0x0;
	vm0 =	vcmask $0x300;
	s21 =	simm.s32 $0x0;
	s1 =	rddreg [dreg:$0x3];
	s9 =	smul.u32 $0x13880, s8  }
0x9: {  	v2 =	vlaneseq.u32;
	vm1 =	vcmask $0xB00;
	[smem:$0x7FF] =	sst s2;
	v0 =	vsel vm0, $0x3, v0;
	s6 =	ssub.s32 $0x2, s6;
	s11 =	smul.u32 $0x4E2, s8  }
0xa: {  	v1 =	vshrl.u32 v2, $0x3;
	v2 =	vand.u32 $0x3, v2;
	vm0 =	vcmask $0x2B20;
	_ =	strace $0x8000004A;
	s10 =	sshrl.u32 s6, $0x1;
	s8 =	smul.u32 $0xEA6, s8  }
0xb: {  	s3 =	sadd.s32 $0xA00, s4;
	vm0 =	vmor vm1, vm0;
	v3 =	vor.u32 $0x2, v1;
	v4 =	vor.u32 $0x4, v1;
	s10 =	ssub.s32 s6, s10;
	s9 =	sshrl.u32 s9, $0x3  }
0xc: {  	v6 =	vor.u32 $0x1380, v1;
	v7 =	vor.u32 $0x1382, v1;
	v8 =	vor.u32 $0x1384, v1;
	s7 =	sadd.s32 s7, s8;
	s8 =	smax.u32 s10, $0x1;
	s10 =	simm.s32 $0x2710  }
0xd: {  	v9 =	vor.u32 $0x1386, v1;
	v10 =	vor.u32 $0x2708, v1;
	v11 =	vor.u32 $0x270A, v1;
	s9 =	sadd.s32 s9, s4;
	s4 =	sadd.s32 s5, s11;
	s11 =	simm.s32 $0xC710  }
0xe: {  	v5 =	vor.u32 $0x6, v1;
	v12 =	vor.u32 $0x270C, v1;
	v13 =	vor.u32 $0x270E, v1;
	s5 =	sadd.s32 $0x4E2A00, s9;
	s6 =	sadd.s32 $0x4E3D88, s9;
	s9 =	simm.s32 $0x1  }
.LBB2_1:
0xf: {  	[tilespmem:s2], [sflag:$0x1] =	stream.linear.gather [hbm4b:s4+s2], $0x2710, $0x38;
	[tilespmem:$0x1D890] =	vst v63  }
0x10: {  	_ =	swait.ge [sflag:s9], $0x2710  }
0x11: {  	[sflag:s9] =	ssyncset.done $0x0  }
0x12: {  	[sflag:s9] =	ssyncadd.s32 $0xFFFFD8F0  }
0x13: {  	[tilespmem:s10], [sflag:$0x1] =	stream.linear.gather [hbm4b:s3+s2], $0xA000, $0x38;
	[tilespmem:$0x1D890] =	vst v63  }
0x14: {  	_ =	swait.ge [sflag:s9], $0xA000  }
0x15: {  	[sflag:s9] =	ssyncset.done $0x0  }
0x16: {  	[sflag:s9] =	ssyncadd.s32 $0xFFFF6000  }
0x17: {  	[tilespmem:s11], [sflag:$0x1] =	stream.linear.gather [hbm4b:s5+s2], $0x9C40, $0x38;
	[tilespmem:$0x1D890] =	vst v63  }
0x18: {  	_ =	swait.ge [sflag:s9], $0x9C40  }
0x19: {  	s22 =	simm.s32 $0xFFFFFFF8;
	s23 =	simm.s32 $0x1637A;
	[sflag:s9] =	ssyncset.done $0x0  }
0x1a: {  	s24 =	simm.s32 $0xC750;
	s25 =	simm.s32 $0x0;
	[sflag:s9] =	ssyncadd.s32 $0xFFFF63C0  }
.LBB2_2:
0x1b: {  	v14 =	vmov s25  }
0x1c: {  	v14 =	vshrl.u32 v14, $0x3  }
0x1d: {  	v14 =	vshll.u32 v14, v0  }
0x1e: {  	v14 =	vbroadcast v14, $0x0;
	_ =	sdelay $0x1  }
0x1f: {  	v14 =	vor.u32 v1, v14;
	_ =	sdelay $0x4  }
0x20: {  	v14 =	vld.idx.msk [tilespmem:v14+s2+$0x0], $0xffff;
	_ =	sdelay $0x4  }
0x21: {  	v14 =	vshll.u32 v14, $0x2  }
0x22: {  	v14 =	vor.u32 v2, v14;
	_ =	sdelay $0x1  }
0x23: {  	s26 =	sadd.s32 $0x2, s25  }
0x24: {  	v15 =	vmov s26  }
0x25: {  	v16 =	vld [tilespmem:s24+$0xFFFFFFC0];
	v15 =	vshrl.u32 v15, $0x3  }
0x26: {  	v15 =	vshll.u32 v15, v0;
	v14 =	vld.idx.msk [tilespmem:v14+s10+$0x0], $0xffff  }
0x27: {  	v15 =	vbroadcast v15, $0x0;
	_ =	sdelay $0x1  }
0x28: {  	v15 =	vor.u32 v3, v15;
	_ =	sdelay $0x1  }
0x29: {  	v14 =	vadd.f32 v16, v14;
	_ =	sdelay $0x1  }
0x2a: {  	[tilespmem:s23+$0xFFFFFFD6] =	vst.msk vm0, v14  }
0x2b: {  	v14 =	vld.idx.msk [tilespmem:v15+s2+$0x0], $0xffff;
	_ =	sdelay $0x4  }
0x2c: {  	v14 =	vshll.u32 v14, $0x2  }
0x2d: {  	v14 =	vor.u32 v2, v14;
	_ =	sdelay $0x1  }
0x2e: {  	s30 =	sadd.s32 $0x4, s25  }
0x2f: {  	v15 =	vmov s30  }
0x30: {  	v58 =	vld [tilespmem:s24+$0xFFFFFFD0];
	v15 =	vshrl.u32 v15, $0x3  }
0x31: {  	v15 =	vshll.u32 v15, v0;
	v14 =	vld.idx.msk [tilespmem:v14+s10+$0x0], $0xffff  }
0x32: {  	v15 =	vbroadcast v15, $0x0;
	_ =	sdelay $0x1  }
0x33: {  	v15 =	vor.u32 v4, v15;
	_ =	sdelay $0x1  }
0x34: {  	v14 =	vadd.f32 v58, v14;
	_ =	sdelay $0x1  }
0x35: {  	[tilespmem:s23+$0xFFFFFFDC] =	vst.msk vm0, v14  }
0x36: {  	v14 =	vld.idx.msk [tilespmem:v15+s2+$0x0], $0xffff;
	_ =	sdelay $0x4  }
0x37: {  	v14 =	vshll.u32 v14, $0x2  }
0x38: {  	v14 =	vor.u32 v2, v14;
	_ =	sdelay $0x1  }
0x39: {  	s31 =	sadd.s32 $0x6, s25  }
0x3a: {  	v15 =	vmov s31  }
0x3b: {  	v59 =	vld [tilespmem:s24+$0xFFFFFFE0];
	v15 =	vshrl.u32 v15, $0x3  }
0x3c: {  	v15 =	vshll.u32 v15, v0;
	v14 =	vld.idx.msk [tilespmem:v14+s10+$0x0], $0xffff  }
0x3d: {  	v15 =	vbroadcast v15, $0x0;
	_ =	sdelay $0x1  }
0x3e: {  	v15 =	vor.u32 v5, v15;
	_ =	sdelay $0x1  }
0x3f: {  	v14 =	vadd.f32 v59, v14;
	_ =	sdelay $0x1  }
0x40: {  	[tilespmem:s23+$0xFFFFFFE2] =	vst.msk vm0, v14  }
0x41: {  	v14 =	vld.idx.msk [tilespmem:v15+s2+$0x0], $0xffff;
	_ =	sdelay $0x4  }
0x42: {  	v14 =	vshll.u32 v14, $0x2  }
0x43: {  	v14 =	vor.u32 v2, v14;
	_ =	sdelay $0x1  }
0x44: {  	s28 =	sadd.s32 $0x8, s25  }
0x45: {  	v15 =	vmov s28  }
0x46: {  	v60 =	vld [tilespmem:s24+$0xFFFFFFF0];
	v15 =	vshrl.u32 v15, $0x3  }
0x47: {  	v15 =	vshll.u32 v15, v0;
	v14 =	vld.idx.msk [tilespmem:v14+s10+$0x0], $0xffff  }
0x48: {  	v15 =	vbroadcast v15, $0x0;
	_ =	sdelay $0x1  }
0x49: {  	v15 =	vor.u32 v1, v15;
	_ =	sdelay $0x1  }
0x4a: {  	v14 =	vadd.f32 v60, v14;
	_ =	sdelay $0x1  }
0x4b: {  	[tilespmem:s23+$0xFFFFFFE8] =	vst.msk vm0, v14  }
0x4c: {  	v14 =	vld.idx.msk [tilespmem:v15+s2+$0x0], $0xffff;
	_ =	sdelay $0x4  }
0x4d: {  	v14 =	vshll.u32 v14, $0x2  }
0x4e: {  	v14 =	vor.u32 v2, v14;
	_ =	sdelay $0x1  }
0x4f: {  	s29 =	sadd.s32 $0xA, s25  }
0x50: {  	v15 =	vmov s29  }
0x51: {  	v61 =	vld [tilespmem:s24+$0x0];
	v15 =	vshrl.u32 v15, $0x3  }
0x52: {  	v15 =	vshll.u32 v15, v0;
	v14 =	vld.idx.msk [tilespmem:v14+s10+$0x0], $0xffff  }
0x53: {  	v15 =	vbroadcast v15, $0x0;
	_ =	sdelay $0x1  }
0x54: {  	v15 =	vor.u32 v3, v15;
	_ =	sdelay $0x1  }
0x55: {  	v14 =	vadd.f32 v61, v14;
	_ =	sdelay $0x1  }
0x56: {  	[tilespmem:s23+$0xFFFFFFEE] =	vst.msk vm0, v14  }
0x57: {  	v14 =	vld.idx.msk [tilespmem:v15+s2+$0x0], $0xffff;
	_ =	sdelay $0x4  }
0x58: {  	v14 =	vshll.u32 v14, $0x2  }
0x59: {  	v14 =	vor.u32 v2, v14;
	_ =	sdelay $0x1  }
0x5a: {  	s30 =	sadd.s32 $0xC, s25  }
0x5b: {  	v15 =	vmov s30  }
0x5c: {  	v62 =	vld [tilespmem:s24+$0x10];
	v15 =	vshrl.u32 v15, $0x3  }
0x5d: {  	v15 =	vshll.u32 v15, v0;
	v14 =	vld.idx.msk [tilespmem:v14+s10+$0x0], $0xffff  }
0x5e: {  	v15 =	vbroadcast v15, $0x0;
	_ =	sdelay $0x1  }
0x5f: {  	v15 =	vor.u32 v4, v15;
	_ =	sdelay $0x1  }
0x60: {  	v14 =	vadd.f32 v62, v14;
	_ =	sdelay $0x1  }
0x61: {  	[tilespmem:s23+$0xFFFFFFF4] =	vst.msk vm0, v14  }
0x62: {  	v14 =	vld.idx.msk [tilespmem:v15+s2+$0x0], $0xffff;
	_ =	sdelay $0x4  }
0x63: {  	v14 =	vshll.u32 v14, $0x2  }
0x64: {  	v14 =	vor.u32 v2, v14;
	_ =	sdelay $0x1  }
0x65: {  	s31 =	sadd.s32 $0xE, s25  }
0x66: {  	v15 =	vmov s31  }
0x67: {  	v63 =	vld [tilespmem:s24+$0x20];
	v15 =	vshrl.u32 v15, $0x3  }
0x68: {  	v15 =	vshll.u32 v15, v0;
	v14 =	vld.idx.msk [tilespmem:v14+s10+$0x0], $0xffff  }
0x69: {  	v15 =	vbroadcast v15, $0x0;
	_ =	sdelay $0x1  }
0x6a: {  	v15 =	vor.u32 v5, v15;
	_ =	sdelay $0x1  }
0x6b: {  	v14 =	vadd.f32 v63, v14;
	_ =	sdelay $0x1  }
0x6c: {  	[tilespmem:s23+$0xFFFFFFFA] =	vst.msk vm0, v14  }
0x6d: {  	v14 =	vld.idx.msk [tilespmem:v15+s2+$0x0], $0xffff;
	_ =	sdelay $0x4  }
0x6e: {  	v14 =	vshll.u32 v14, $0x2  }
0x6f: {  	v14 =	vor.u32 v2, v14;
	_ =	sdelay $0x3  }
0x70: {  	v15 =	vld [tilespmem:s24+$0x30]  }
0x71: {  	v14 =	vld.idx.msk [tilespmem:v14+s10+$0x0], $0xffff  }
0x72: {  	s22 =	sadd.s32 $0x8, s22  }
0x73: {  	p0 =	slt.u32 s22, $0x9B8  }
.Ltmp0:
0x74: {  	_ = 	snop;
	(pc) =	sbr.rel @p0 .LBB2_2-.Ltmp0, $3  }
0x75: {  	_ = 	snop  }
0x76: {  	v14 =	vadd.f32 v15, v14;
	_ =	sdelay $0x1  }
0x77: {  	s25 =	sadd.s32 $0x10, s25;
	s24 =	sadd.s32 $0x80, s24;
	[tilespmem:s23+$0x0] =	vst.msk vm0, v14;
	s23 =	sadd.s32 $0x30, s23  }
0x78: {  	_ =	sdelay $0x3  }
0x79: {  	v14 =	vld.idx.msk [tilespmem:v6+s2+$0x0], $0xffff;
	_ =	sdelay $0x4  }
0x7a: {  	v14 =	vshll.u32 v14, $0x2  }
0x7b: {  	v14 =	vor.u32 v2, v14;
	_ =	sdelay $0x3  }
0x7c: {  	v15 =	vld [tilespmem:$0x16310]  }
0x7d: {  	v14 =	vld.idx.msk [tilespmem:v14+s10+$0x0], $0xffff;
	_ =	sdelay $0x4  }
0x7e: {  	v14 =	vadd.f32 v15, v14;
	_ =	sdelay $0x1  }
0x7f: {  	[tilespmem:s12+$0x0] =	vst.msk vm0, v14  }
0x80: {  	v14 =	vld.idx.msk [tilespmem:v7+s2+$0x0], $0xffff;
	_ =	sdelay $0x4  }
0x81: {  	v14 =	vshll.u32 v14, $0x2  }
0x82: {  	v14 =	vor.u32 v2, v14;
	_ =	sdelay $0x3  }
0x83: {  	v15 =	vld [tilespmem:$0x16320]  }
0x84: {  	v14 =	vld.idx.msk [tilespmem:v14+s10+$0x0], $0xffff;
	_ =	sdelay $0x4  }
0x85: {  	v14 =	vadd.f32 v15, v14;
	_ =	sdelay $0x1  }
0x86: {  	[tilespmem:s13+$0x0] =	vst.msk vm0, v14  }
0x87: {  	v14 =	vld.idx.msk [tilespmem:v8+s2+$0x0], $0xffff;
	_ =	sdelay $0x4  }
0x88: {  	v14 =	vshll.u32 v14, $0x2  }
0x89: {  	v14 =	vor.u32 v2, v14;
	_ =	sdelay $0x3  }
0x8a: {  	v15 =	vld [tilespmem:$0x16330]  }
0x8b: {  	v14 =	vld.idx.msk [tilespmem:v14+s10+$0x0], $0xffff;
	_ =	sdelay $0x4  }
0x8c: {  	v14 =	vadd.f32 v15, v14;
	_ =	sdelay $0x1  }
0x8d: {  	[tilespmem:s14+$0x0] =	vst.msk vm0, v14  }
0x8e: {  	v14 =	vld.idx.msk [tilespmem:v9+s2+$0x0], $0xffff;
	_ =	sdelay $0x4  }
0x8f: {  	v14 =	vshll.u32 v14, $0x2  }
0x90: {  	v14 =	vor.u32 v2, v14;
	_ =	sdelay $0x3  }
0x91: {  	v15 =	vld [tilespmem:$0x16340]  }
0x92: {  	v14 =	vld.idx.msk [tilespmem:v14+s10+$0x0], $0xffff;
	_ =	sdelay $0x4  }
0x93: {  	v14 =	vadd.f32 v15, v14;
	_ =	sdelay $0x1  }
0x94: {  	[tilespmem:s15+$0x0] =	vst.msk vm0, v14  }
0x95: {  	[tilespmem:s11], [sflag:$0x1] =	stream.linear.gather [hbm4b:s6+s2], $0x9C40, $0x38;
	[tilespmem:$0x1D890] =	vst v63  }
0x96: {  	_ =	swait.ge [sflag:s9], $0x9C40  }
0x97: {  	s22 =	simm.s32 $0xFFFFFFF8;
	s23 =	simm.s32 $0x19E12;
	[sflag:s9] =	ssyncset.done $0x0  }
0x98: {  	s24 =	simm.s32 $0x1396;
	s25 =	simm.s32 $0xC750;
	[sflag:s9] =	ssyncadd.s32 $0xFFFF63C0  }
.LBB2_4:
0x99: {  	s26 =	sadd.s32 $0xFFFFFFF2, s24  }
0x9a: {  	v14 =	vmov s26  }
0x9b: {  	v14 =	vshrl.u32 v14, $0x3  }
0x9c: {  	v14 =	vshll.u32 v14, v0  }
0x9d: {  	v14 =	vbroadcast v14, $0x0;
	_ =	sdelay $0x1  }
0x9e: {  	v14 =	vor.u32 v1, v14;
	_ =	sdelay $0x4  }
0x9f: {  	v14 =	vld.idx.msk [tilespmem:v14+s2+$0x0], $0xffff;
	_ =	sdelay $0x4  }
0xa0: {  	v14 =	vshll.u32 v14, $0x2  }
0xa1: {  	v14 =	vor.u32 v2, v14;
	_ =	sdelay $0x1  }
0xa2: {  	s30 =	sadd.s32 $0xFFFFFFF4, s24  }
0xa3: {  	v15 =	vmov s30  }
0xa4: {  	v16 =	vld [tilespmem:s25+$0xFFFFFFC0];
	v15 =	vshrl.u32 v15, $0x3  }
0xa5: {  	v15 =	vshll.u32 v15, v0;
	v14 =	vld.idx.msk [tilespmem:v14+s10+$0x0], $0xffff  }
0xa6: {  	v15 =	vbroadcast v15, $0x0;
	_ =	sdelay $0x1  }
0xa7: {  	v15 =	vor.u32 v3, v15;
	_ =	sdelay $0x1  }
0xa8: {  	v14 =	vadd.f32 v16, v14;
	_ =	sdelay $0x1  }
0xa9: {  	[tilespmem:s23+$0xFFFFFFD6] =	vst.msk vm0, v14  }
0xaa: {  	v14 =	vld.idx.msk [tilespmem:v15+s2+$0x0], $0xffff;
	_ =	sdelay $0x4  }
0xab: {  	v14 =	vshll.u32 v14, $0x2  }
0xac: {  	v14 =	vor.u32 v2, v14;
	_ =	sdelay $0x1  }
0xad: {  	s31 =	sadd.s32 $0xFFFFFFF6, s24  }
0xae: {  	v15 =	vmov s31  }
0xaf: {  	v58 =	vld [tilespmem:s25+$0xFFFFFFD0];
	v15 =	vshrl.u32 v15, $0x3  }
0xb0: {  	v15 =	vshll.u32 v15, v0;
	v14 =	vld.idx.msk [tilespmem:v14+s10+$0x0], $0xffff  }
0xb1: {  	v15 =	vbroadcast v15, $0x0;
	_ =	sdelay $0x1  }
0xb2: {  	v15 =	vor.u32 v4, v15;
	_ =	sdelay $0x1  }
0xb3: {  	v14 =	vadd.f32 v58, v14;
	_ =	sdelay $0x1  }
0xb4: {  	[tilespmem:s23+$0xFFFFFFDC] =	vst.msk vm0, v14  }
0xb5: {  	v14 =	vld.idx.msk [tilespmem:v15+s2+$0x0], $0xffff;
	_ =	sdelay $0x4  }
0xb6: {  	v14 =	vshll.u32 v14, $0x2  }
0xb7: {  	v14 =	vor.u32 v2, v14;
	_ =	sdelay $0x1  }
0xb8: {  	s28 =	sadd.s32 $0xFFFFFFF8, s24  }
0xb9: {  	v15 =	vmov s28  }
0xba: {  	v59 =	vld [tilespmem:s25+$0xFFFFFFE0];
	v15 =	vshrl.u32 v15, $0x3  }
0xbb: {  	v15 =	vshll.u32 v15, v0;
	v14 =	vld.idx.msk [tilespmem:v14+s10+$0x0], $0xffff  }
0xbc: {  	v15 =	vbroadcast v15, $0x0;
	_ =	sdelay $0x1  }
0xbd: {  	v15 =	vor.u32 v5, v15;
	_ =	sdelay $0x1  }
0xbe: {  	v14 =	vadd.f32 v59, v14;
	_ =	sdelay $0x1  }
0xbf: {  	[tilespmem:s23+$0xFFFFFFE2] =	vst.msk vm0, v14  }
0xc0: {  	v14 =	vld.idx.msk [tilespmem:v15+s2+$0x0], $0xffff;
	_ =	sdelay $0x4  }
0xc1: {  	v14 =	vshll.u32 v14, $0x2  }
0xc2: {  	v14 =	vor.u32 v2, v14;
	_ =	sdelay $0x1  }
0xc3: {  	s29 =	sadd.s32 $0xFFFFFFFA, s24  }
0xc4: {  	v15 =	vmov s29  }
0xc5: {  	v60 =	vld [tilespmem:s25+$0xFFFFFFF0];
	v15 =	vshrl.u32 v15, $0x3  }
0xc6: {  	v15 =	vshll.u32 v15, v0;
	v14 =	vld.idx.msk [tilespmem:v14+s10+$0x0], $0xffff  }
0xc7: {  	v15 =	vbroadcast v15, $0x0;
	_ =	sdelay $0x1  }
0xc8: {  	v15 =	vor.u32 v1, v15;
	_ =	sdelay $0x1  }
0xc9: {  	v14 =	vadd.f32 v60, v14;
	_ =	sdelay $0x1  }
0xca: {  	[tilespmem:s23+$0xFFFFFFE8] =	vst.msk vm0, v14  }
0xcb: {  	v14 =	vld.idx.msk [tilespmem:v15+s2+$0x0], $0xffff;
	_ =	sdelay $0x4  }
0xcc: {  	v14 =	vshll.u32 v14, $0x2  }
0xcd: {  	v14 =	vor.u32 v2, v14;
	_ =	sdelay $0x1  }
0xce: {  	s30 =	sadd.s32 $0xFFFFFFFC, s24  }
0xcf: {  	v15 =	vmov s30  }
0xd0: {  	v61 =	vld [tilespmem:s25+$0x0];
	v15 =	vshrl.u32 v15, $0x3  }
0xd1: {  	v15 =	vshll.u32 v15, v0;
	v14 =	vld.idx.msk [tilespmem:v14+s10+$0x0], $0xffff  }
0xd2: {  	v15 =	vbroadcast v15, $0x0;
	_ =	sdelay $0x1  }
0xd3: {  	v15 =	vor.u32 v3, v15;
	_ =	sdelay $0x1  }
0xd4: {  	v14 =	vadd.f32 v61, v14;
	_ =	sdelay $0x1  }
0xd5: {  	[tilespmem:s23+$0xFFFFFFEE] =	vst.msk vm0, v14  }
0xd6: {  	v14 =	vld.idx.msk [tilespmem:v15+s2+$0x0], $0xffff;
	_ =	sdelay $0x4  }
0xd7: {  	v14 =	vshll.u32 v14, $0x2  }
0xd8: {  	v14 =	vor.u32 v2, v14;
	_ =	sdelay $0x1  }
0xd9: {  	s31 =	sadd.s32 $0xFFFFFFFE, s24  }
0xda: {  	v15 =	vmov s31  }
0xdb: {  	v62 =	vld [tilespmem:s25+$0x10];
	v15 =	vshrl.u32 v15, $0x3  }
0xdc: {  	v15 =	vshll.u32 v15, v0;
	v14 =	vld.idx.msk [tilespmem:v14+s10+$0x0], $0xffff  }
0xdd: {  	v15 =	vbroadcast v15, $0x0;
	_ =	sdelay $0x1  }
0xde: {  	v15 =	vor.u32 v4, v15;
	_ =	sdelay $0x1  }
0xdf: {  	v14 =	vadd.f32 v62, v14;
	_ =	sdelay $0x1  }
0xe0: {  	[tilespmem:s23+$0xFFFFFFF4] =	vst.msk vm0, v14  }
0xe1: {  	v14 =	vld.idx.msk [tilespmem:v15+s2+$0x0], $0xffff;
	_ =	sdelay $0x4  }
0xe2: {  	v14 =	vshll.u32 v14, $0x2  }
0xe3: {  	v14 =	vor.u32 v2, v14;
	_ =	sdelay $0x2  }
0xe4: {  	v15 =	vmov s24  }
0xe5: {  	v63 =	vld [tilespmem:s25+$0x20];
	v15 =	vshrl.u32 v15, $0x3  }
0xe6: {  	v15 =	vshll.u32 v15, v0;
	v14 =	vld.idx.msk [tilespmem:v14+s10+$0x0], $0xffff  }
0xe7: {  	v15 =	vbroadcast v15, $0x0;
	_ =	sdelay $0x1  }
0xe8: {  	v15 =	vor.u32 v5, v15;
	_ =	sdelay $0x1  }
0xe9: {  	v14 =	vadd.f32 v63, v14;
	_ =	sdelay $0x1  }
0xea: {  	[tilespmem:s23+$0xFFFFFFFA] =	vst.msk vm0, v14  }
0xeb: {  	v14 =	vld.idx.msk [tilespmem:v15+s2+$0x0], $0xffff;
	_ =	sdelay $0x4  }
0xec: {  	v14 =	vshll.u32 v14, $0x2  }
0xed: {  	v14 =	vor.u32 v2, v14;
	_ =	sdelay $0x3  }
0xee: {  	v15 =	vld [tilespmem:s25+$0x30]  }
0xef: {  	v14 =	vld.idx.msk [tilespmem:v14+s10+$0x0], $0xffff  }
0xf0: {  	s22 =	sadd.s32 $0x8, s22  }
0xf1: {  	p0 =	slt.u32 s22, $0x9B8  }
.Ltmp1:
0xf2: {  	_ = 	snop;
	(pc) =	sbr.rel @p0 .LBB2_4-.Ltmp1, $3  }
0xf3: {  	_ = 	snop  }
0xf4: {  	v14 =	vadd.f32 v15, v14;
	_ =	sdelay $0x1  }
0xf5: {  	s24 =	sadd.s32 $0x10, s24;
	s25 =	sadd.s32 $0x80, s25;
	[tilespmem:s23+$0x0] =	vst.msk vm0, v14;
	s23 =	sadd.s32 $0x30, s23  }
0xf6: {  	_ =	sdelay $0x3  }
0xf7: {  	v14 =	vld.idx.msk [tilespmem:v10+s2+$0x0], $0xffff;
	_ =	sdelay $0x4  }
0xf8: {  	v14 =	vshll.u32 v14, $0x2  }
0xf9: {  	v14 =	vor.u32 v2, v14;
	_ =	sdelay $0x3  }
0xfa: {  	v15 =	vld [tilespmem:$0x16310]  }
0xfb: {  	v14 =	vld.idx.msk [tilespmem:v14+s10+$0x0], $0xffff;
	_ =	sdelay $0x4  }
0xfc: {  	v14 =	vadd.f32 v15, v14;
	_ =	sdelay $0x1  }
0xfd: {  	[tilespmem:s16+$0x0] =	vst.msk vm0, v14  }
0xfe: {  	v14 =	vld.idx.msk [tilespmem:v11+s2+$0x0], $0xffff;
	_ =	sdelay $0x4  }
0xff: {  	v14 =	vshll.u32 v14, $0x2  }
0x100: {  	v14 =	vor.u32 v2, v14;
	_ =	sdelay $0x3  }
0x101: {  	v15 =	vld [tilespmem:$0x16320]  }
0x102: {  	v14 =	vld.idx.msk [tilespmem:v14+s10+$0x0], $0xffff;
	_ =	sdelay $0x4  }
0x103: {  	v14 =	vadd.f32 v15, v14;
	_ =	sdelay $0x1  }
0x104: {  	[tilespmem:s17+$0x0] =	vst.msk vm0, v14  }
0x105: {  	v14 =	vld.idx.msk [tilespmem:v12+s2+$0x0], $0xffff;
	_ =	sdelay $0x4  }
0x106: {  	v14 =	vshll.u32 v14, $0x2  }
0x107: {  	v14 =	vor.u32 v2, v14;
	_ =	sdelay $0x3  }
0x108: {  	v15 =	vld [tilespmem:$0x16330]  }
0x109: {  	v14 =	vld.idx.msk [tilespmem:v14+s10+$0x0], $0xffff;
	_ =	sdelay $0x4  }
0x10a: {  	v14 =	vadd.f32 v15, v14;
	_ =	sdelay $0x1  }
0x10b: {  	[tilespmem:s18+$0x0] =	vst.msk vm0, v14  }
0x10c: {  	v14 =	vld.idx.msk [tilespmem:v13+s2+$0x0], $0xffff;
	_ =	sdelay $0x4  }
0x10d: {  	v14 =	vshll.u32 v14, $0x2  }
0x10e: {  	v14 =	vor.u32 v2, v14;
	_ =	sdelay $0x3  }
0x10f: {  	v15 =	vld [tilespmem:$0x16340]  }
0x110: {  	v14 =	vld.idx.msk [tilespmem:v14+s10+$0x0], $0xffff;
	_ =	sdelay $0x4  }
0x111: {  	s21 =	sadd.s32 $0x1, s21;
	v14 =	vadd.f32 v15, v14  }
0x112: {  	p0 =	sne.s32 s21, s8  }
.Ltmp2:
0x113: {  	[tilespmem:s19+$0x0] =	vst.msk vm0, v14;
	(pc) =	sbr.rel @p0 .LBB2_1-.Ltmp2, $4  }
0x114: {  	[hbm4b:s7+s2] =	stream.linear.scatter [tilespmem:s20], [sflag:$0x1], $0x7530, $0x38;
	[tilespmem:$0x1D890] =	vst v63  }
0x115: {  	_ =	swait.ge [sflag:s9], $0x7530  }
0x116: {  	[sflag:s9] =	ssyncset.done $0x0  }
0x117: {  	[sflag:s9] =	ssyncadd.s32 $0xFFFF8AD0  }
0x118: {  	_ =	sfence.sel $0x180000  }
0x119: {  	[bflag:$0x0] =	sbarrier.arrive $0xFFFF  }
0x11a: {  	p0 =	sne.s32 s0, $0x0;
	_ =	strace $0x9000004A  }
0x11b: {  	s0 =	sadd.s32 @!p0 $0x100000, s1;
	[bflag:$0x2] =	sbarrier.arrive $0xFFFF  }
0x11c: {  	[sflag:s0] =	ssyncadd.tile.s32 @!p0 $0x1;
	_ =	shalt  }
.Lfunc_end2:
_tile_overlayer_lowered:
.L_overlay_start_2:
0x11d: {  	(tag) =	ssettag $0x2  }
0x11e: {  	s0 =	rddreg [dreg:$0x0];
	s2 =	stileid.u32  }
0x11f: {  	s1 =	rddreg [dreg:$0x1];
	p0 =	sne.s32 s2, $0x0  }
0x120: {  	s3 =	rddreg [dreg:$0x2];
	[bflag:$0x3] =	sbarrier.arrive $0xFFFF;
	s2 =	simm.s32 @!p0 $0x1C01  }
0x121: {  	[timem:s3], [sflag:s2] =	dma.local @!p0 [hbm:s0], s1  }
0x122: {  	s0 =	simm.s32 @!p0 $0x1  }
0x123: {  	_ =	swait.ge @!p0 [sflag:s0], s1  }
0x124: {  	s1 =	ssub.s32 @!p0 $0x0, s1;
	[sflag:s0] =	ssyncset.done @!p0 $0x0  }
0x125: {  	[sflag:s0] =	ssyncadd.s32 @!p0 s1  }
0x126: {  	[bflag:$0x3] =	sbarrier.arrive $0xFFFF  }
0x127: {  	_ =	shalt  }

</sc_bundles>
